<compile_context>
chip_gen: v7x
topology: tpu7x:2x2x1
jax: 0.10.2.dev20260603
libtpu: 0.0.44.dev20260713+nightly
codegen_flags: <defaults>
</compile_context>

<pallas_src>
import dataclasses
import functools

import jax
import jax.numpy as jnp
from jax import lax
from jax.experimental import pallas as pl
from jax.experimental.pallas import tpu as pltpu
from jax.experimental.pallas import tpu_sc as plsc

H = 100
W = 100
D = 256
B = 8
PLANE_ROWS = 2 * D
OUT_ROWS = B * PLANE_ROWS
ROW_LEN = H * W
C_PER_SUB = 16
PIECE = 8


def _sc_body(rowt_ref, colt_ref, idxdiv_ref, idxmod_ref, out_ref,
             tbl_v, idx_v, buf, sem):
    core = lax.axis_index("c")
    sub = lax.axis_index("s")

    @pl.when(core == 0)
    def _():
        pltpu.sync_copy(rowt_ref.at[pl.ds(sub * C_PER_SUB * H, C_PER_SUB * H)],
                        tbl_v)
        pltpu.sync_copy(idxdiv_ref, idx_v)

    @pl.when(core == 1)
    def _():
        pltpu.sync_copy(colt_ref.at[pl.ds(sub * C_PER_SUB * W, C_PER_SUB * W)],
                        tbl_v)
        pltpu.sync_copy(idxmod_ref, idx_v)

    for p in range(C_PER_SUB // PIECE):
        copies = []
        for b in range(B):
            c0 = core * D + sub * C_PER_SUB + p * PIECE
            base = (b * PLANE_ROWS + c0) * ROW_LEN
            copies.append(pltpu.async_copy(
                buf, out_ref.at[pl.ds(base, PIECE * ROW_LEN)], sem))
        for cp in copies:
            cp.wait()


def kernel(x, row_embed, col_embed):
    f32 = jnp.float32
    row_t = row_embed.T.reshape(-1)
    col_t = col_embed.T.reshape(-1)
    lanes = jnp.arange(ROW_LEN, dtype=jnp.int32)
    idx_div = lanes // W
    idx_mod = lanes % W
    mesh = plsc.VectorSubcoreMesh(core_axis_name="c", subcore_axis_name="s")
    cp = pltpu.CompilerParams()
    if "needs_layout_passes" in pltpu.CompilerParams.__dataclass_fields__:
        cp = dataclasses.replace(cp, needs_layout_passes=False)
    run = pl.kernel(
        _sc_body,
        out_type=jax.ShapeDtypeStruct((OUT_ROWS * ROW_LEN,), f32),
        mesh=mesh,
        scratch_types=[
            pltpu.VMEM((C_PER_SUB * H,), f32),
            pltpu.VMEM((ROW_LEN,), jnp.int32),
            pltpu.VMEM((PIECE * ROW_LEN,), f32),
            pltpu.SemaphoreType.DMA,
        ],
        compiler_params=cp,
    )
    out = run(row_t, col_t, idx_div, idx_mod)
    return out.reshape(B, PLANE_ROWS, H, W)

# --- scband reference (transcript-rebuilt; emitter-appended) ---
"""Pipeline reference for scband-learnable-position-embedding-20581483282568 (READ-ONLY COPY).

The authoritative reference and input builder live on the scoring server;
editing this copy changes nothing except your own understanding.
"""

import jax, jax.numpy as jnp
import numpy as np

NUM_POS_FEATS = 256
HEIGHT = 100
WIDTH = 100

def setup_inputs(seed: int = 0) -> dict:
    key = jax.random.key(seed)
    k1, k2, k3 = jax.random.split(key, 3)
    x = jax.random.normal(k1, (8, 512, 100, 100), dtype=jnp.float32)
    # nn.init.uniform_ default is U[0, 1)
    row_embed = jax.random.uniform(k2, (HEIGHT, NUM_POS_FEATS), dtype=jnp.float32)
    col_embed = jax.random.uniform(k3, (WIDTH, NUM_POS_FEATS), dtype=jnp.float32)
    return {"x": x, "row_embed": row_embed, "col_embed": col_embed}

def reference(x, row_embed, col_embed):
    h, w = x.shape[-2], x.shape[-1]
    i = jnp.arange(w)
    j = jnp.arange(h)
    x_emb = jnp.take(col_embed, i, axis=0)  # [w, d]
    y_emb = jnp.take(row_embed, j, axis=0)  # [h, d]
    d = y_emb.shape[-1]
    y_part = jnp.broadcast_to(y_emb[:, None, :], (h, w, d))
    x_part = jnp.broadcast_to(x_emb[None, :, :], (h, w, d))
    pos = jnp.concatenate([y_part, x_part], axis=-1)  # [h, w, 2d]
    pos = jnp.transpose(pos, (2, 0, 1))[None]          # [1, 2d, h, w]
    pos = jnp.broadcast_to(pos, (x.shape[0], pos.shape[1], h, w))
    return pos

if __name__ == "__main__":
    import jax
    _d = setup_inputs()
    print(jax.jit(kernel)(*tuple(_d.values())))

</pallas_src>

<mosaic_0001>
#map = affine_map<(d0, d1) -> (0)>
module attributes {stable_mosaic.version = 14 : i64} {
  func.func @_sc_body(%arg0: i32, %arg1: i32, %arg2: memref<25600xf32, #tpu.memory_space<hbm>>, %arg3: memref<25600xf32, #tpu.memory_space<hbm>>, %arg4: memref<10000xi32, #tpu.memory_space<hbm>>, %arg5: memref<10000xi32, #tpu.memory_space<hbm>>, %arg6: memref<40960000xf32, #tpu.memory_space<hbm>>, %arg7: memref<1600xf32, #tpu.memory_space<vmem>>, %arg8: memref<10000xi32, #tpu.memory_space<vmem>>, %arg9: memref<80000xf32, #tpu.memory_space<vmem>>, %arg10: memref<!tpu.dma_semaphore, #tpu.memory_space<semaphore_mem>>) attributes {dimension_semantics = [#tpu.dimension_semantics<core_parallel>, #tpu.dimension_semantics<subcore_parallel>], iteration_bounds = array<i64: 2, 16>, scalar_prefetch = 0 : i64, scratch_operands = 4 : i64, tpu.core_type = #tpu.core_type<sc_vector_subcore>, window_params = [{transform_indices = #map}, {transform_indices = #map}, {transform_indices = #map}, {transform_indices = #map}, {transform_indices = #map}]} {
    %eq3A = arith.constant 0 : i32
    %eq3A_0 = arith.cmpi eq, %arg0, %eq3A : i32
    %convert_element_type3A = arith.extui %eq3A_0 : i1 to i32
    %cond3A = arith.constant 0 : i32
    %cond3A_1 = arith.cmpi ne, %convert_element_type3A, %cond3A : i32
    scf.if %cond3A_1 {
      %mul3A_243 = arith.constant 16 : i32
      %mul3A_244 = arith.muli %arg1, %mul3A_243 : i32
      %mul3A_245 = arith.constant 100 : i32
      %mul3A_246 = arith.muli %mul3A_244, %mul3A_245 : i32
      "tpu.region"() ({
        %run_scoped3A = tpu.sem_alloc : memref<!tpu.dma_semaphore, #tpu.memory_space<semaphore_mem>>
        %dma_start3A_247 = tpu.memref_slice %arg2[%mul3A_246] : memref<25600xf32, #tpu.memory_space<hbm>> -> memref<1600xf32, #tpu.memory_space<hbm>>
        %dma_start3A_248 = tpu.memref_slice %arg2[%mul3A_246] : memref<25600xf32, #tpu.memory_space<hbm>> -> memref<1600xf32, #tpu.memory_space<hbm>>
        tpu.enqueue_dma source(%dma_start3A_248 : memref<1600xf32, #tpu.memory_space<hbm>>) target(%arg7 : memref<1600xf32, #tpu.memory_space<vmem>>) target_semaphore(%run_scoped3A : memref<!tpu.dma_semaphore, #tpu.memory_space<semaphore_mem>>)
        %dma_wait3A_249 = tpu.memref_slice %arg2[%mul3A_246] : memref<25600xf32, #tpu.memory_space<hbm>> -> memref<1600xf32, #tpu.memory_space<hbm>>
        %dma_wait3A_250 = tpu.memref_slice %arg2[%mul3A_246] : memref<25600xf32, #tpu.memory_space<hbm>> -> memref<1600xf32, #tpu.memory_space<hbm>>
        tpu.wait_dma2 semaphore(%run_scoped3A : memref<!tpu.dma_semaphore, #tpu.memory_space<semaphore_mem>>) src(%dma_wait3A_250 : memref<1600xf32, #tpu.memory_space<hbm>>) dst(%arg7 : memref<1600xf32, #tpu.memory_space<vmem>>)
        tpu.yield
      }) : () -> ()
      "tpu.region"() ({
        %run_scoped3A = tpu.sem_alloc : memref<!tpu.dma_semaphore, #tpu.memory_space<semaphore_mem>>
        tpu.enqueue_dma source(%arg4 : memref<10000xi32, #tpu.memory_space<hbm>>) target(%arg8 : memref<10000xi32, #tpu.memory_space<vmem>>) target_semaphore(%run_scoped3A : memref<!tpu.dma_semaphore, #tpu.memory_space<semaphore_mem>>)
        tpu.wait_dma2 semaphore(%run_scoped3A : memref<!tpu.dma_semaphore, #tpu.memory_space<semaphore_mem>>) src(%arg4 : memref<10000xi32, #tpu.memory_space<hbm>>) dst(%arg8 : memref<10000xi32, #tpu.memory_space<vmem>>)
        tpu.yield
      }) : () -> ()
    } else {
    }
    %eq3A_2 = arith.constant 1 : i32
    %eq3A_3 = arith.cmpi eq, %arg0, %eq3A_2 : i32
    %convert_element_type3A_4 = arith.extui %eq3A_3 : i1 to i32
    %cond3A_5 = arith.constant 0 : i32
    %cond3A_6 = arith.cmpi ne, %convert_element_type3A_4, %cond3A_5 : i32
    scf.if %cond3A_6 {
      %mul3A_243 = arith.constant 16 : i32
      %mul3A_244 = arith.muli %arg1, %mul3A_243 : i32
      %mul3A_245 = arith.constant 100 : i32
      %mul3A_246 = arith.muli %mul3A_244, %mul3A_245 : i32
      "tpu.region"() ({
        %run_scoped3A = tpu.sem_alloc : memref<!tpu.dma_semaphore, #tpu.memory_space<semaphore_mem>>
        %dma_start3A_247 = tpu.memref_slice %arg3[%mul3A_246] : memref<25600xf32, #tpu.memory_space<hbm>> -> memref<1600xf32, #tpu.memory_space<hbm>>
        %dma_start3A_248 = tpu.memref_slice %arg3[%mul3A_246] : memref<25600xf32, #tpu.memory_space<hbm>> -> memref<1600xf32, #tpu.memory_space<hbm>>
        tpu.enqueue_dma source(%dma_start3A_248 : memref<1600xf32, #tpu.memory_space<hbm>>) target(%arg7 : memref<1600xf32, #tpu.memory_space<vmem>>) target_semaphore(%run_scoped3A : memref<!tpu.dma_semaphore, #tpu.memory_space<semaphore_mem>>)
        %dma_wait3A_249 = tpu.memref_slice %arg3[%mul3A_246] : memref<25600xf32, #tpu.memory_space<hbm>> -> memref<1600xf32, #tpu.memory_space<hbm>>
        %dma_wait3A_250 = tpu.memref_slice %arg3[%mul3A_246] : memref<25600xf32, #tpu.memory_space<hbm>> -> memref<1600xf32, #tpu.memory_space<hbm>>
        tpu.wait_dma2 semaphore(%run_scoped3A : memref<!tpu.dma_semaphore, #tpu.memory_space<semaphore_mem>>) src(%dma_wait3A_250 : memref<1600xf32, #tpu.memory_space<hbm>>) dst(%arg7 : memref<1600xf32, #tpu.memory_space<vmem>>)
        tpu.yield
      }) : () -> ()
      "tpu.region"() ({
        %run_scoped3A = tpu.sem_alloc : memref<!tpu.dma_semaphore, #tpu.memory_space<semaphore_mem>>
        tpu.enqueue_dma source(%arg5 : memref<10000xi32, #tpu.memory_space<hbm>>) target(%arg8 : memref<10000xi32, #tpu.memory_space<vmem>>) target_semaphore(%run_scoped3A : memref<!tpu.dma_semaphore, #tpu.memory_space<semaphore_mem>>)
        tpu.wait_dma2 semaphore(%run_scoped3A : memref<!tpu.dma_semaphore, #tpu.memory_space<semaphore_mem>>) src(%arg5 : memref<10000xi32, #tpu.memory_space<hbm>>) dst(%arg8 : memref<10000xi32, #tpu.memory_space<vmem>>)
        tpu.yield
      }) : () -> ()
    } else {
    }
    %mul3A = arith.constant 256 : i32
    %mul3A_7 = arith.muli %arg0, %mul3A : i32
    %mul3A_8 = arith.constant 16 : i32
    %mul3A_9 = arith.muli %arg1, %mul3A_8 : i32
    %add3A = arith.addi %mul3A_7, %mul3A_9 : i32
    %add3A_10 = arith.constant 0 : i32
    %add3A_11 = arith.addi %add3A, %add3A_10 : i32
    %add3A_12 = arith.constant 0 : i32
    %add3A_13 = arith.addi %add3A_12, %add3A_11 : i32
    %mul3A_14 = arith.constant 10000 : i32
    %mul3A_15 = arith.muli %add3A_13, %mul3A_14 : i32
    %dma_start3A = tpu.memref_slice %arg6[%mul3A_15] : memref<40960000xf32, #tpu.memory_space<hbm>> -> memref<80000xf32, #tpu.memory_space<hbm>>
    %dma_start3A_16 = tpu.memref_slice %arg6[%mul3A_15] : memref<40960000xf32, #tpu.memory_space<hbm>> -> memref<80000xf32, #tpu.memory_space<hbm>>
    tpu.enqueue_dma source(%arg9 : memref<80000xf32, #tpu.memory_space<vmem>>) target(%dma_start3A_16 : memref<80000xf32, #tpu.memory_space<hbm>>) target_semaphore(%arg10 : memref<!tpu.dma_semaphore, #tpu.memory_space<semaphore_mem>>)
    %mul3A_17 = arith.constant 256 : i32
    %mul3A_18 = arith.muli %arg0, %mul3A_17 : i32
    %mul3A_19 = arith.constant 16 : i32
    %mul3A_20 = arith.muli %arg1, %mul3A_19 : i32
    %add3A_21 = arith.addi %mul3A_18, %mul3A_20 : i32
    %add3A_22 = arith.constant 0 : i32
    %add3A_23 = arith.addi %add3A_21, %add3A_22 : i32
    %add3A_24 = arith.constant 512 : i32
    %add3A_25 = arith.addi %add3A_24, %add3A_23 : i32
    %mul3A_26 = arith.constant 10000 : i32
    %mul3A_27 = arith.muli %add3A_25, %mul3A_26 : i32
    %dma_start3A_28 = tpu.memref_slice %arg6[%mul3A_27] : memref<40960000xf32, #tpu.memory_space<hbm>> -> memref<80000xf32, #tpu.memory_space<hbm>>
    %dma_start3A_29 = tpu.memref_slice %arg6[%mul3A_27] : memref<40960000xf32, #tpu.memory_space<hbm>> -> memref<80000xf32, #tpu.memory_space<hbm>>
    tpu.enqueue_dma source(%arg9 : memref<80000xf32, #tpu.memory_space<vmem>>) target(%dma_start3A_29 : memref<80000xf32, #tpu.memory_space<hbm>>) target_semaphore(%arg10 : memref<!tpu.dma_semaphore, #tpu.memory_space<semaphore_mem>>)
    %mul3A_30 = arith.constant 256 : i32
    %mul3A_31 = arith.muli %arg0, %mul3A_30 : i32
    %mul3A_32 = arith.constant 16 : i32
    %mul3A_33 = arith.muli %arg1, %mul3A_32 : i32
    %add3A_34 = arith.addi %mul3A_31, %mul3A_33 : i32
    %add3A_35 = arith.constant 0 : i32
    %add3A_36 = arith.addi %add3A_34, %add3A_35 : i32
    %add3A_37 = arith.constant 1024 : i32
    %add3A_38 = arith.addi %add3A_37, %add3A_36 : i32
    %mul3A_39 = arith.constant 10000 : i32
    %mul3A_40 = arith.muli %add3A_38, %mul3A_39 : i32
    %dma_start3A_41 = tpu.memref_slice %arg6[%mul3A_40] : memref<40960000xf32, #tpu.memory_space<hbm>> -> memref<80000xf32, #tpu.memory_space<hbm>>
    %dma_start3A_42 = tpu.memref_slice %arg6[%mul3A_40] : memref<40960000xf32, #tpu.memory_space<hbm>> -> memref<80000xf32, #tpu.memory_space<hbm>>
    tpu.enqueue_dma source(%arg9 : memref<80000xf32, #tpu.memory_space<vmem>>) target(%dma_start3A_42 : memref<80000xf32, #tpu.memory_space<hbm>>) target_semaphore(%arg10 : memref<!tpu.dma_semaphore, #tpu.memory_space<semaphore_mem>>)
    %mul3A_43 = arith.constant 256 : i32
    %mul3A_44 = arith.muli %arg0, %mul3A_43 : i32
    %mul3A_45 = arith.constant 16 : i32
    %mul3A_46 = arith.muli %arg1, %mul3A_45 : i32
    %add3A_47 = arith.addi %mul3A_44, %mul3A_46 : i32
    %add3A_48 = arith.constant 0 : i32
    %add3A_49 = arith.addi %add3A_47, %add3A_48 : i32
    %add3A_50 = arith.constant 1536 : i32
    %add3A_51 = arith.addi %add3A_50, %add3A_49 : i32
    %mul3A_52 = arith.constant 10000 : i32
    %mul3A_53 = arith.muli %add3A_51, %mul3A_52 : i32
    %dma_start3A_54 = tpu.memref_slice %arg6[%mul3A_53] : memref<40960000xf32, #tpu.memory_space<hbm>> -> memref<80000xf32, #tpu.memory_space<hbm>>
    %dma_start3A_55 = tpu.memref_slice %arg6[%mul3A_53] : memref<40960000xf32, #tpu.memory_space<hbm>> -> memref<80000xf32, #tpu.memory_space<hbm>>
    tpu.enqueue_dma source(%arg9 : memref<80000xf32, #tpu.memory_space<vmem>>) target(%dma_start3A_55 : memref<80000xf32, #tpu.memory_space<hbm>>) target_semaphore(%arg10 : memref<!tpu.dma_semaphore, #tpu.memory_space<semaphore_mem>>)
    %mul3A_56 = arith.constant 256 : i32
    %mul3A_57 = arith.muli %arg0, %mul3A_56 : i32
    %mul3A_58 = arith.constant 16 : i32
    %mul3A_59 = arith.muli %arg1, %mul3A_58 : i32
    %add3A_60 = arith.addi %mul3A_57, %mul3A_59 : i32
    %add3A_61 = arith.constant 0 : i32
    %add3A_62 = arith.addi %add3A_60, %add3A_61 : i32
    %add3A_63 = arith.constant 2048 : i32
    %add3A_64 = arith.addi %add3A_63, %add3A_62 : i32
    %mul3A_65 = arith.constant 10000 : i32
    %mul3A_66 = arith.muli %add3A_64, %mul3A_65 : i32
    %dma_start3A_67 = tpu.memref_slice %arg6[%mul3A_66] : memref<40960000xf32, #tpu.memory_space<hbm>> -> memref<80000xf32, #tpu.memory_space<hbm>>
    %dma_start3A_68 = tpu.memref_slice %arg6[%mul3A_66] : memref<40960000xf32, #tpu.memory_space<hbm>> -> memref<80000xf32, #tpu.memory_space<hbm>>
    tpu.enqueue_dma source(%arg9 : memref<80000xf32, #tpu.memory_space<vmem>>) target(%dma_start3A_68 : memref<80000xf32, #tpu.memory_space<hbm>>) target_semaphore(%arg10 : memref<!tpu.dma_semaphore, #tpu.memory_space<semaphore_mem>>)
    %mul3A_69 = arith.constant 256 : i32
    %mul3A_70 = arith.muli %arg0, %mul3A_69 : i32
    %mul3A_71 = arith.constant 16 : i32
    %mul3A_72 = arith.muli %arg1, %mul3A_71 : i32
    %add3A_73 = arith.addi %mul3A_70, %mul3A_72 : i32
    %add3A_74 = arith.constant 0 : i32
    %add3A_75 = arith.addi %add3A_73, %add3A_74 : i32
    %add3A_76 = arith.constant 2560 : i32
    %add3A_77 = arith.addi %add3A_76, %add3A_75 : i32
    %mul3A_78 = arith.constant 10000 : i32
    %mul3A_79 = arith.muli %add3A_77, %mul3A_78 : i32
    %dma_start3A_80 = tpu.memref_slice %arg6[%mul3A_79] : memref<40960000xf32, #tpu.memory_space<hbm>> -> memref<80000xf32, #tpu.memory_space<hbm>>
    %dma_start3A_81 = tpu.memref_slice %arg6[%mul3A_79] : memref<40960000xf32, #tpu.memory_space<hbm>> -> memref<80000xf32, #tpu.memory_space<hbm>>
    tpu.enqueue_dma source(%arg9 : memref<80000xf32, #tpu.memory_space<vmem>>) target(%dma_start3A_81 : memref<80000xf32, #tpu.memory_space<hbm>>) target_semaphore(%arg10 : memref<!tpu.dma_semaphore, #tpu.memory_space<semaphore_mem>>)
    %mul3A_82 = arith.constant 256 : i32
    %mul3A_83 = arith.muli %arg0, %mul3A_82 : i32
    %mul3A_84 = arith.constant 16 : i32
    %mul3A_85 = arith.muli %arg1, %mul3A_84 : i32
    %add3A_86 = arith.addi %mul3A_83, %mul3A_85 : i32
    %add3A_87 = arith.constant 0 : i32
    %add3A_88 = arith.addi %add3A_86, %add3A_87 : i32
    %add3A_89 = arith.constant 3072 : i32
    %add3A_90 = arith.addi %add3A_89, %add3A_88 : i32
    %mul3A_91 = arith.constant 10000 : i32
    %mul3A_92 = arith.muli %add3A_90, %mul3A_91 : i32
    %dma_start3A_93 = tpu.memref_slice %arg6[%mul3A_92] : memref<40960000xf32, #tpu.memory_space<hbm>> -> memref<80000xf32, #tpu.memory_space<hbm>>
    %dma_start3A_94 = tpu.memref_slice %arg6[%mul3A_92] : memref<40960000xf32, #tpu.memory_space<hbm>> -> memref<80000xf32, #tpu.memory_space<hbm>>
    tpu.enqueue_dma source(%arg9 : memref<80000xf32, #tpu.memory_space<vmem>>) target(%dma_start3A_94 : memref<80000xf32, #tpu.memory_space<hbm>>) target_semaphore(%arg10 : memref<!tpu.dma_semaphore, #tpu.memory_space<semaphore_mem>>)
    %mul3A_95 = arith.constant 256 : i32
    %mul3A_96 = arith.muli %arg0, %mul3A_95 : i32
    %mul3A_97 = arith.constant 16 : i32
    %mul3A_98 = arith.muli %arg1, %mul3A_97 : i32
    %add3A_99 = arith.addi %mul3A_96, %mul3A_98 : i32
    %add3A_100 = arith.constant 0 : i32
    %add3A_101 = arith.addi %add3A_99, %add3A_100 : i32
    %add3A_102 = arith.constant 3584 : i32
    %add3A_103 = arith.addi %add3A_102, %add3A_101 : i32
    %mul3A_104 = arith.constant 10000 : i32
    %mul3A_105 = arith.muli %add3A_103, %mul3A_104 : i32
    %dma_start3A_106 = tpu.memref_slice %arg6[%mul3A_105] : memref<40960000xf32, #tpu.memory_space<hbm>> -> memref<80000xf32, #tpu.memory_space<hbm>>
    %dma_start3A_107 = tpu.memref_slice %arg6[%mul3A_105] : memref<40960000xf32, #tpu.memory_space<hbm>> -> memref<80000xf32, #tpu.memory_space<hbm>>
    tpu.enqueue_dma source(%arg9 : memref<80000xf32, #tpu.memory_space<vmem>>) target(%dma_start3A_107 : memref<80000xf32, #tpu.memory_space<hbm>>) target_semaphore(%arg10 : memref<!tpu.dma_semaphore, #tpu.memory_space<semaphore_mem>>)
    %dma_wait3A = tpu.memref_slice %arg6[%mul3A_15] : memref<40960000xf32, #tpu.memory_space<hbm>> -> memref<80000xf32, #tpu.memory_space<hbm>>
    %dma_wait3A_108 = tpu.memref_slice %arg6[%mul3A_15] : memref<40960000xf32, #tpu.memory_space<hbm>> -> memref<80000xf32, #tpu.memory_space<hbm>>
    tpu.wait_dma2 semaphore(%arg10 : memref<!tpu.dma_semaphore, #tpu.memory_space<semaphore_mem>>) src(%arg9 : memref<80000xf32, #tpu.memory_space<vmem>>) dst(%dma_wait3A_108 : memref<80000xf32, #tpu.memory_space<hbm>>)
    %dma_wait3A_109 = tpu.memref_slice %arg6[%mul3A_27] : memref<40960000xf32, #tpu.memory_space<hbm>> -> memref<80000xf32, #tpu.memory_space<hbm>>
    %dma_wait3A_110 = tpu.memref_slice %arg6[%mul3A_27] : memref<40960000xf32, #tpu.memory_space<hbm>> -> memref<80000xf32, #tpu.memory_space<hbm>>
    tpu.wait_dma2 semaphore(%arg10 : memref<!tpu.dma_semaphore, #tpu.memory_space<semaphore_mem>>) src(%arg9 : memref<80000xf32, #tpu.memory_space<vmem>>) dst(%dma_wait3A_110 : memref<80000xf32, #tpu.memory_space<hbm>>)
    %dma_wait3A_111 = tpu.memref_slice %arg6[%mul3A_40] : memref<40960000xf32, #tpu.memory_space<hbm>> -> memref<80000xf32, #tpu.memory_space<hbm>>
    %dma_wait3A_112 = tpu.memref_slice %arg6[%mul3A_40] : memref<40960000xf32, #tpu.memory_space<hbm>> -> memref<80000xf32, #tpu.memory_space<hbm>>
    tpu.wait_dma2 semaphore(%arg10 : memref<!tpu.dma_semaphore, #tpu.memory_space<semaphore_mem>>) src(%arg9 : memref<80000xf32, #tpu.memory_space<vmem>>) dst(%dma_wait3A_112 : memref<80000xf32, #tpu.memory_space<hbm>>)
    %dma_wait3A_113 = tpu.memref_slice %arg6[%mul3A_53] : memref<40960000xf32, #tpu.memory_space<hbm>> -> memref<80000xf32, #tpu.memory_space<hbm>>
    %dma_wait3A_114 = tpu.memref_slice %arg6[%mul3A_53] : memref<40960000xf32, #tpu.memory_space<hbm>> -> memref<80000xf32, #tpu.memory_space<hbm>>
    tpu.wait_dma2 semaphore(%arg10 : memref<!tpu.dma_semaphore, #tpu.memory_space<semaphore_mem>>) src(%arg9 : memref<80000xf32, #tpu.memory_space<vmem>>) dst(%dma_wait3A_114 : memref<80000xf32, #tpu.memory_space<hbm>>)
    %dma_wait3A_115 = tpu.memref_slice %arg6[%mul3A_66] : memref<40960000xf32, #tpu.memory_space<hbm>> -> memref<80000xf32, #tpu.memory_space<hbm>>
    %dma_wait3A_116 = tpu.memref_slice %arg6[%mul3A_66] : memref<40960000xf32, #tpu.memory_space<hbm>> -> memref<80000xf32, #tpu.memory_space<hbm>>
    tpu.wait_dma2 semaphore(%arg10 : memref<!tpu.dma_semaphore, #tpu.memory_space<semaphore_mem>>) src(%arg9 : memref<80000xf32, #tpu.memory_space<vmem>>) dst(%dma_wait3A_116 : memref<80000xf32, #tpu.memory_space<hbm>>)
    %dma_wait3A_117 = tpu.memref_slice %arg6[%mul3A_79] : memref<40960000xf32, #tpu.memory_space<hbm>> -> memref<80000xf32, #tpu.memory_space<hbm>>
    %dma_wait3A_118 = tpu.memref_slice %arg6[%mul3A_79] : memref<40960000xf32, #tpu.memory_space<hbm>> -> memref<80000xf32, #tpu.memory_space<hbm>>
    tpu.wait_dma2 semaphore(%arg10 : memref<!tpu.dma_semaphore, #tpu.memory_space<semaphore_mem>>) src(%arg9 : memref<80000xf32, #tpu.memory_space<vmem>>) dst(%dma_wait3A_118 : memref<80000xf32, #tpu.memory_space<hbm>>)
    %dma_wait3A_119 = tpu.memref_slice %arg6[%mul3A_92] : memref<40960000xf32, #tpu.memory_space<hbm>> -> memref<80000xf32, #tpu.memory_space<hbm>>
    %dma_wait3A_120 = tpu.memref_slice %arg6[%mul3A_92] : memref<40960000xf32, #tpu.memory_space<hbm>> -> memref<80000xf32, #tpu.memory_space<hbm>>
    tpu.wait_dma2 semaphore(%arg10 : memref<!tpu.dma_semaphore, #tpu.memory_space<semaphore_mem>>) src(%arg9 : memref<80000xf32, #tpu.memory_space<vmem>>) dst(%dma_wait3A_120 : memref<80000xf32, #tpu.memory_space<hbm>>)
    %dma_wait3A_121 = tpu.memref_slice %arg6[%mul3A_105] : memref<40960000xf32, #tpu.memory_space<hbm>> -> memref<80000xf32, #tpu.memory_space<hbm>>
    %dma_wait3A_122 = tpu.memref_slice %arg6[%mul3A_105] : memref<40960000xf32, #tpu.memory_space<hbm>> -> memref<80000xf32, #tpu.memory_space<hbm>>
    tpu.wait_dma2 semaphore(%arg10 : memref<!tpu.dma_semaphore, #tpu.memory_space<semaphore_mem>>) src(%arg9 : memref<80000xf32, #tpu.memory_space<vmem>>) dst(%dma_wait3A_122 : memref<80000xf32, #tpu.memory_space<hbm>>)
    %mul3A_123 = arith.constant 256 : i32
    %mul3A_124 = arith.muli %arg0, %mul3A_123 : i32
    %mul3A_125 = arith.constant 16 : i32
    %mul3A_126 = arith.muli %arg1, %mul3A_125 : i32
    %add3A_127 = arith.addi %mul3A_124, %mul3A_126 : i32
    %add3A_128 = arith.constant 8 : i32
    %add3A_129 = arith.addi %add3A_127, %add3A_128 : i32
    %add3A_130 = arith.constant 0 : i32
    %add3A_131 = arith.addi %add3A_130, %add3A_129 : i32
    %mul3A_132 = arith.constant 10000 : i32
    %mul3A_133 = arith.muli %add3A_131, %mul3A_132 : i32
    %dma_start3A_134 = tpu.memref_slice %arg6[%mul3A_133] : memref<40960000xf32, #tpu.memory_space<hbm>> -> memref<80000xf32, #tpu.memory_space<hbm>>
    %dma_start3A_135 = tpu.memref_slice %arg6[%mul3A_133] : memref<40960000xf32, #tpu.memory_space<hbm>> -> memref<80000xf32, #tpu.memory_space<hbm>>
    tpu.enqueue_dma source(%arg9 : memref<80000xf32, #tpu.memory_space<vmem>>) target(%dma_start3A_135 : memref<80000xf32, #tpu.memory_space<hbm>>) target_semaphore(%arg10 : memref<!tpu.dma_semaphore, #tpu.memory_space<semaphore_mem>>)
    %mul3A_136 = arith.constant 256 : i32
    %mul3A_137 = arith.muli %arg0, %mul3A_136 : i32
    %mul3A_138 = arith.constant 16 : i32
    %mul3A_139 = arith.muli %arg1, %mul3A_138 : i32
    %add3A_140 = arith.addi %mul3A_137, %mul3A_139 : i32
    %add3A_141 = arith.constant 8 : i32
    %add3A_142 = arith.addi %add3A_140, %add3A_141 : i32
    %add3A_143 = arith.constant 512 : i32
    %add3A_144 = arith.addi %add3A_143, %add3A_142 : i32
    %mul3A_145 = arith.constant 10000 : i32
    %mul3A_146 = arith.muli %add3A_144, %mul3A_145 : i32
    %dma_start3A_147 = tpu.memref_slice %arg6[%mul3A_146] : memref<40960000xf32, #tpu.memory_space<hbm>> -> memref<80000xf32, #tpu.memory_space<hbm>>
    %dma_start3A_148 = tpu.memref_slice %arg6[%mul3A_146] : memref<40960000xf32, #tpu.memory_space<hbm>> -> memref<80000xf32, #tpu.memory_space<hbm>>
    tpu.enqueue_dma source(%arg9 : memref<80000xf32, #tpu.memory_space<vmem>>) target(%dma_start3A_148 : memref<80000xf32, #tpu.memory_space<hbm>>) target_semaphore(%arg10 : memref<!tpu.dma_semaphore, #tpu.memory_space<semaphore_mem>>)
    %mul3A_149 = arith.constant 256 : i32
    %mul3A_150 = arith.muli %arg0, %mul3A_149 : i32
    %mul3A_151 = arith.constant 16 : i32
    %mul3A_152 = arith.muli %arg1, %mul3A_151 : i32
    %add3A_153 = arith.addi %mul3A_150, %mul3A_152 : i32
    %add3A_154 = arith.constant 8 : i32
    %add3A_155 = arith.addi %add3A_153, %add3A_154 : i32
    %add3A_156 = arith.constant 1024 : i32
    %add3A_157 = arith.addi %add3A_156, %add3A_155 : i32
    %mul3A_158 = arith.constant 10000 : i32
    %mul3A_159 = arith.muli %add3A_157, %mul3A_158 : i32
    %dma_start3A_160 = tpu.memref_slice %arg6[%mul3A_159] : memref<40960000xf32, #tpu.memory_space<hbm>> -> memref<80000xf32, #tpu.memory_space<hbm>>
    %dma_start3A_161 = tpu.memref_slice %arg6[%mul3A_159] : memref<40960000xf32, #tpu.memory_space<hbm>> -> memref<80000xf32, #tpu.memory_space<hbm>>
    tpu.enqueue_dma source(%arg9 : memref<80000xf32, #tpu.memory_space<vmem>>) target(%dma_start3A_161 : memref<80000xf32, #tpu.memory_space<hbm>>) target_semaphore(%arg10 : memref<!tpu.dma_semaphore, #tpu.memory_space<semaphore_mem>>)
    %mul3A_162 = arith.constant 256 : i32
    %mul3A_163 = arith.muli %arg0, %mul3A_162 : i32
    %mul3A_164 = arith.constant 16 : i32
    %mul3A_165 = arith.muli %arg1, %mul3A_164 : i32
    %add3A_166 = arith.addi %mul3A_163, %mul3A_165 : i32
    %add3A_167 = arith.constant 8 : i32
    %add3A_168 = arith.addi %add3A_166, %add3A_167 : i32
    %add3A_169 = arith.constant 1536 : i32
    %add3A_170 = arith.addi %add3A_169, %add3A_168 : i32
    %mul3A_171 = arith.constant 10000 : i32
    %mul3A_172 = arith.muli %add3A_170, %mul3A_171 : i32
    %dma_start3A_173 = tpu.memref_slice %arg6[%mul3A_172] : memref<40960000xf32, #tpu.memory_space<hbm>> -> memref<80000xf32, #tpu.memory_space<hbm>>
    %dma_start3A_174 = tpu.memref_slice %arg6[%mul3A_172] : memref<40960000xf32, #tpu.memory_space<hbm>> -> memref<80000xf32, #tpu.memory_space<hbm>>
    tpu.enqueue_dma source(%arg9 : memref<80000xf32, #tpu.memory_space<vmem>>) target(%dma_start3A_174 : memref<80000xf32, #tpu.memory_space<hbm>>) target_semaphore(%arg10 : memref<!tpu.dma_semaphore, #tpu.memory_space<semaphore_mem>>)
    %mul3A_175 = arith.constant 256 : i32
    %mul3A_176 = arith.muli %arg0, %mul3A_175 : i32
    %mul3A_177 = arith.constant 16 : i32
    %mul3A_178 = arith.muli %arg1, %mul3A_177 : i32
    %add3A_179 = arith.addi %mul3A_176, %mul3A_178 : i32
    %add3A_180 = arith.constant 8 : i32
    %add3A_181 = arith.addi %add3A_179, %add3A_180 : i32
    %add3A_182 = arith.constant 2048 : i32
    %add3A_183 = arith.addi %add3A_182, %add3A_181 : i32
    %mul3A_184 = arith.constant 10000 : i32
    %mul3A_185 = arith.muli %add3A_183, %mul3A_184 : i32
    %dma_start3A_186 = tpu.memref_slice %arg6[%mul3A_185] : memref<40960000xf32, #tpu.memory_space<hbm>> -> memref<80000xf32, #tpu.memory_space<hbm>>
    %dma_start3A_187 = tpu.memref_slice %arg6[%mul3A_185] : memref<40960000xf32, #tpu.memory_space<hbm>> -> memref<80000xf32, #tpu.memory_space<hbm>>
    tpu.enqueue_dma source(%arg9 : memref<80000xf32, #tpu.memory_space<vmem>>) target(%dma_start3A_187 : memref<80000xf32, #tpu.memory_space<hbm>>) target_semaphore(%arg10 : memref<!tpu.dma_semaphore, #tpu.memory_space<semaphore_mem>>)
    %mul3A_188 = arith.constant 256 : i32
    %mul3A_189 = arith.muli %arg0, %mul3A_188 : i32
    %mul3A_190 = arith.constant 16 : i32
    %mul3A_191 = arith.muli %arg1, %mul3A_190 : i32
    %add3A_192 = arith.addi %mul3A_189, %mul3A_191 : i32
    %add3A_193 = arith.constant 8 : i32
    %add3A_194 = arith.addi %add3A_192, %add3A_193 : i32
    %add3A_195 = arith.constant 2560 : i32
    %add3A_196 = arith.addi %add3A_195, %add3A_194 : i32
    %mul3A_197 = arith.constant 10000 : i32
    %mul3A_198 = arith.muli %add3A_196, %mul3A_197 : i32
    %dma_start3A_199 = tpu.memref_slice %arg6[%mul3A_198] : memref<40960000xf32, #tpu.memory_space<hbm>> -> memref<80000xf32, #tpu.memory_space<hbm>>
    %dma_start3A_200 = tpu.memref_slice %arg6[%mul3A_198] : memref<40960000xf32, #tpu.memory_space<hbm>> -> memref<80000xf32, #tpu.memory_space<hbm>>
    tpu.enqueue_dma source(%arg9 : memref<80000xf32, #tpu.memory_space<vmem>>) target(%dma_start3A_200 : memref<80000xf32, #tpu.memory_space<hbm>>) target_semaphore(%arg10 : memref<!tpu.dma_semaphore, #tpu.memory_space<semaphore_mem>>)
    %mul3A_201 = arith.constant 256 : i32
    %mul3A_202 = arith.muli %arg0, %mul3A_201 : i32
    %mul3A_203 = arith.constant 16 : i32
    %mul3A_204 = arith.muli %arg1, %mul3A_203 : i32
    %add3A_205 = arith.addi %mul3A_202, %mul3A_204 : i32
    %add3A_206 = arith.constant 8 : i32
    %add3A_207 = arith.addi %add3A_205, %add3A_206 : i32
    %add3A_208 = arith.constant 3072 : i32
    %add3A_209 = arith.addi %add3A_208, %add3A_207 : i32
    %mul3A_210 = arith.constant 10000 : i32
    %mul3A_211 = arith.muli %add3A_209, %mul3A_210 : i32
    %dma_start3A_212 = tpu.memref_slice %arg6[%mul3A_211] : memref<40960000xf32, #tpu.memory_space<hbm>> -> memref<80000xf32, #tpu.memory_space<hbm>>
    %dma_start3A_213 = tpu.memref_slice %arg6[%mul3A_211] : memref<40960000xf32, #tpu.memory_space<hbm>> -> memref<80000xf32, #tpu.memory_space<hbm>>
    tpu.enqueue_dma source(%arg9 : memref<80000xf32, #tpu.memory_space<vmem>>) target(%dma_start3A_213 : memref<80000xf32, #tpu.memory_space<hbm>>) target_semaphore(%arg10 : memref<!tpu.dma_semaphore, #tpu.memory_space<semaphore_mem>>)
    %mul3A_214 = arith.constant 256 : i32
    %mul3A_215 = arith.muli %arg0, %mul3A_214 : i32
    %mul3A_216 = arith.constant 16 : i32
    %mul3A_217 = arith.muli %arg1, %mul3A_216 : i32
    %add3A_218 = arith.addi %mul3A_215, %mul3A_217 : i32
    %add3A_219 = arith.constant 8 : i32
    %add3A_220 = arith.addi %add3A_218, %add3A_219 : i32
    %add3A_221 = arith.constant 3584 : i32
    %add3A_222 = arith.addi %add3A_221, %add3A_220 : i32
    %mul3A_223 = arith.constant 10000 : i32
    %mul3A_224 = arith.muli %add3A_222, %mul3A_223 : i32
    %dma_start3A_225 = tpu.memref_slice %arg6[%mul3A_224] : memref<40960000xf32, #tpu.memory_space<hbm>> -> memref<80000xf32, #tpu.memory_space<hbm>>
    %dma_start3A_226 = tpu.memref_slice %arg6[%mul3A_224] : memref<40960000xf32, #tpu.memory_space<hbm>> -> memref<80000xf32, #tpu.memory_space<hbm>>
    tpu.enqueue_dma source(%arg9 : memref<80000xf32, #tpu.memory_space<vmem>>) target(%dma_start3A_226 : memref<80000xf32, #tpu.memory_space<hbm>>) target_semaphore(%arg10 : memref<!tpu.dma_semaphore, #tpu.memory_space<semaphore_mem>>)
    %dma_wait3A_227 = tpu.memref_slice %arg6[%mul3A_133] : memref<40960000xf32, #tpu.memory_space<hbm>> -> memref<80000xf32, #tpu.memory_space<hbm>>
    %dma_wait3A_228 = tpu.memref_slice %arg6[%mul3A_133] : memref<40960000xf32, #tpu.memory_space<hbm>> -> memref<80000xf32, #tpu.memory_space<hbm>>
    tpu.wait_dma2 semaphore(%arg10 : memref<!tpu.dma_semaphore, #tpu.memory_space<semaphore_mem>>) src(%arg9 : memref<80000xf32, #tpu.memory_space<vmem>>) dst(%dma_wait3A_228 : memref<80000xf32, #tpu.memory_space<hbm>>)
    %dma_wait3A_229 = tpu.memref_slice %arg6[%mul3A_146] : memref<40960000xf32, #tpu.memory_space<hbm>> -> memref<80000xf32, #tpu.memory_space<hbm>>
    %dma_wait3A_230 = tpu.memref_slice %arg6[%mul3A_146] : memref<40960000xf32, #tpu.memory_space<hbm>> -> memref<80000xf32, #tpu.memory_space<hbm>>
    tpu.wait_dma2 semaphore(%arg10 : memref<!tpu.dma_semaphore, #tpu.memory_space<semaphore_mem>>) src(%arg9 : memref<80000xf32, #tpu.memory_space<vmem>>) dst(%dma_wait3A_230 : memref<80000xf32, #tpu.memory_space<hbm>>)
    %dma_wait3A_231 = tpu.memref_slice %arg6[%mul3A_159] : memref<40960000xf32, #tpu.memory_space<hbm>> -> memref<80000xf32, #tpu.memory_space<hbm>>
    %dma_wait3A_232 = tpu.memref_slice %arg6[%mul3A_159] : memref<40960000xf32, #tpu.memory_space<hbm>> -> memref<80000xf32, #tpu.memory_space<hbm>>
    tpu.wait_dma2 semaphore(%arg10 : memref<!tpu.dma_semaphore, #tpu.memory_space<semaphore_mem>>) src(%arg9 : memref<80000xf32, #tpu.memory_space<vmem>>) dst(%dma_wait3A_232 : memref<80000xf32, #tpu.memory_space<hbm>>)
    %dma_wait3A_233 = tpu.memref_slice %arg6[%mul3A_172] : memref<40960000xf32, #tpu.memory_space<hbm>> -> memref<80000xf32, #tpu.memory_space<hbm>>
    %dma_wait3A_234 = tpu.memref_slice %arg6[%mul3A_172] : memref<40960000xf32, #tpu.memory_space<hbm>> -> memref<80000xf32, #tpu.memory_space<hbm>>
    tpu.wait_dma2 semaphore(%arg10 : memref<!tpu.dma_semaphore, #tpu.memory_space<semaphore_mem>>) src(%arg9 : memref<80000xf32, #tpu.memory_space<vmem>>) dst(%dma_wait3A_234 : memref<80000xf32, #tpu.memory_space<hbm>>)
    %dma_wait3A_235 = tpu.memref_slice %arg6[%mul3A_185] : memref<40960000xf32, #tpu.memory_space<hbm>> -> memref<80000xf32, #tpu.memory_space<hbm>>
    %dma_wait3A_236 = tpu.memref_slice %arg6[%mul3A_185] : memref<40960000xf32, #tpu.memory_space<hbm>> -> memref<80000xf32, #tpu.memory_space<hbm>>
    tpu.wait_dma2 semaphore(%arg10 : memref<!tpu.dma_semaphore, #tpu.memory_space<semaphore_mem>>) src(%arg9 : memref<80000xf32, #tpu.memory_space<vmem>>) dst(%dma_wait3A_236 : memref<80000xf32, #tpu.memory_space<hbm>>)
    %dma_wait3A_237 = tpu.memref_slice %arg6[%mul3A_198] : memref<40960000xf32, #tpu.memory_space<hbm>> -> memref<80000xf32, #tpu.memory_space<hbm>>
    %dma_wait3A_238 = tpu.memref_slice %arg6[%mul3A_198] : memref<40960000xf32, #tpu.memory_space<hbm>> -> memref<80000xf32, #tpu.memory_space<hbm>>
    tpu.wait_dma2 semaphore(%arg10 : memref<!tpu.dma_semaphore, #tpu.memory_space<semaphore_mem>>) src(%arg9 : memref<80000xf32, #tpu.memory_space<vmem>>) dst(%dma_wait3A_238 : memref<80000xf32, #tpu.memory_space<hbm>>)
    %dma_wait3A_239 = tpu.memref_slice %arg6[%mul3A_211] : memref<40960000xf32, #tpu.memory_space<hbm>> -> memref<80000xf32, #tpu.memory_space<hbm>>
    %dma_wait3A_240 = tpu.memref_slice %arg6[%mul3A_211] : memref<40960000xf32, #tpu.memory_space<hbm>> -> memref<80000xf32, #tpu.memory_space<hbm>>
    tpu.wait_dma2 semaphore(%arg10 : memref<!tpu.dma_semaphore, #tpu.memory_space<semaphore_mem>>) src(%arg9 : memref<80000xf32, #tpu.memory_space<vmem>>) dst(%dma_wait3A_240 : memref<80000xf32, #tpu.memory_space<hbm>>)
    %dma_wait3A_241 = tpu.memref_slice %arg6[%mul3A_224] : memref<40960000xf32, #tpu.memory_space<hbm>> -> memref<80000xf32, #tpu.memory_space<hbm>>
    %dma_wait3A_242 = tpu.memref_slice %arg6[%mul3A_224] : memref<40960000xf32, #tpu.memory_space<hbm>> -> memref<80000xf32, #tpu.memory_space<hbm>>
    tpu.wait_dma2 semaphore(%arg10 : memref<!tpu.dma_semaphore, #tpu.memory_space<semaphore_mem>>) src(%arg9 : memref<80000xf32, #tpu.memory_space<vmem>>) dst(%dma_wait3A_242 : memref<80000xf32, #tpu.memory_space<hbm>>)
    return
  }
}

</mosaic_0001>

<sc_bundles>
// kernel: kernel.3.cloned.1.call-start
scs
__scs_entry_jumppad:
0x0: {  	(pc) =	sbr.rel $0x88, $3  }
0x1: {  	(tag) =	ssettag $0x0;
	lr =	simm.s32 $0x1  }
0x2: {  	[smem:$0x3F9F] =	sst lr;
	_ =	strace $0xD0000000  }
0x3: {  	_ = 	snop  }
0x4: {  	_ = 	snop  }
0x5: {  	_ = 	snop  }
0x6: {  	_ = 	snop  }
0x7: {  	_ = 	snop  }
__scs_overlays_trampoline_lowered:
0x8: {  	[smem:$0x3FAE] =	sst s0  }
0x9: {  	[smem:$0x3FAF] =	sst s1  }
0xa: {  	[smem:$0x3FB0] =	sst s2  }
0xb: {  	[smem:$0x3FB1] =	sst s3  }
0xc: {  	[smem:$0x3FB2] =	sst s4  }
0xd: {  	[smem:$0x3FB3] =	sst s5  }
0xe: {  	[smem:$0x3FB4] =	sst s6  }
0xf: {  	[smem:$0x3FB5] =	sst s7  }
0x10: {  	[smem:$0x3FB6] =	sst s8  }
0x11: {  	[smem:$0x3FB7] =	sst s9;
	s0 =	simm.s32 @!p0 $0x0  }
0x12: {  	s1 =	sld [smem:$0x3F9D];
	s0 =	simm.s32 @p0 $0x1  }
0x13: {  	[smem:$0x3FB8] =	sst s0;
	s0 =	simm.s32 @!p1 $0x0  }
0x14: {  	s2 =	sld [smem:$0x3F9C];
	s0 =	simm.s32 @p1 $0x1  }
0x15: {  	[smem:$0x3FB9] =	sst s0;
	s0 =	simm.s32 @!p2 $0x0  }
0x16: {  	s3 =	sld [smem:$0x3FDB];
	s0 =	simm.s32 @p2 $0x1  }
0x17: {  	s4 =	simm.s32 $0x1BF5;
	[smem:$0x3FBB] =	sst s0  }
0x18: {  	s0 =	sld [smem:$0x3F9E];
	_ =	swait.ge [sflag:s4], $0x0  }
0x19: {  	s7 =	sld [smem:$0x3F9F]  }
0x1a: {  	s8 =	sadd.s32 $0xFFFFE003, lr  }
0x1b: {  	s9 =	sadd.s32 $0xFFFFFEF7, lr;
	s5 =	simm.s32 $0xFFFFFFFF;
	p2 =	slt.u32 s8, $0xFFFFF086  }
0x1c: {  	p1 =	slt.u32 s9, $0xF7A;
	s5 =	simm.s32 @!p2 $0x0  }
0x1d: {  	s5 =	simm.s32 @p1 $0x1;
	p0 =	seq.s32 s7, s2  }
0x1e: {  	s7 =	smul.u32 @!p0 $0xF7A, s2;
	p2 =	seq.s32 @!p0 s5, $0x0  }
0x1f: {  	s9 =	smul.u32 $0xF7A, s1;
	s8 =	simm.s32 @!p0 $0x1BF5;
	p2 =	por !p2, p0  }
0x20: {  	[sflag:s8] =	ssyncset.s32 @!p0 $0xFFFFF086;
	s6 =	sadd.s32 @!p0 s3, s7;
	s7 =	simm.s32 @!p0 $0x108  }
0x21: {  	s3 =	sadd.s32 s3, s9;
	s6 =	sadd.s32 @!p0 $0x88, s6;
	s7 =	simm.s32 @p2 $0x1082  }
0x22: {  	[simem:s7], [sflag:s8] =	dma.local @!p0 [hbm:s6], $0xF7A  }
0x23: {  	s9 =	sor.u32 $0xD0000000, s2;
	s6 =	simm.s32 $0x108;
	_ =	swait.ge @!p0 [sflag:s8], $0x0  }
0x24: {  	s3 =	sadd.s32 $0x88, s3;
	s6 =	simm.s32 @!p1 $0x1082;
	[sflag:s4] =	ssyncset.s32 $0xFFFFF086  }
0x25: {  	[simem:s6], [sflag:s4] =	dma.local [hbm:s3], $0xF7A  }
0x26: {  	[smem:$0x3F9F] =	sst s1;
	(tag) =	ssettag s2;
	_ =	strace s9  }
0x27: {  	s1 =	sld [smem:$0x3FAF]  }
0x28: {  	s2 =	sld [smem:$0x3FB0]  }
0x29: {  	s4 =	sld [smem:$0x3FB2]  }
0x2a: {  	p0 =	seq.s32 s5, $0x0;
	s5 =	sld [smem:$0x3FB3]  }
0x2b: {  	s6 =	sld [smem:$0x3FB4]  }
0x2c: {  	s7 =	sld [smem:$0x3FB5]  }
0x2d: {  	s3 =	simm.s32 $0x108;
	s8 =	sld [smem:$0x3FB6]  }
0x2e: {  	s3 =	simm.s32 @!p0 $0x1082;
	s9 =	sld [smem:$0x3FB7]  }
0x2f: {  	lr =	sadd.s32 s0, s3;
	s0 =	sld [smem:$0x3FAE]  }
0x30: {  	s3 =	sld [smem:$0x3FB1]  }
0x31: {  	[smem:$0x3FBA] =	sst s10  }
0x32: {  	s10 =	sld [smem:$0x3FB8];
	_ =	sdelay $0x3  }
0x33: {  	p0 =	seq.s32 s10, $0x1;
	s10 =	sld [smem:$0x3FBA];
	_ =	sdelay $0x3  }
0x34: {  	[smem:$0x3FBA] =	sst s10  }
0x35: {  	s10 =	sld [smem:$0x3FB9];
	_ =	sdelay $0x3  }
0x36: {  	p1 =	seq.s32 s10, $0x1;
	s10 =	sld [smem:$0x3FBA];
	_ =	sdelay $0x3  }
0x37: {  	[smem:$0x3FBA] =	sst s10  }
0x38: {  	s10 =	sld [smem:$0x3FBB]  }
0x39: {  	_ = 	snop;
	(pc) =	sbr.ind lr, $3  }
0x3a: {  	_ = 	snop  }
0x3b: {  	_ = 	snop  }
0x3c: {  	p2 =	seq.s32 s10, $0x1;
	s10 =	sld [smem:$0x3FBA]  }
0x3d: {  	_ =	shalt  }
0x3e: {  	_ =	shalt  }
0x3f: {  	_ =	shalt  }
0x40: {  	_ =	shalt  }
0x41: {  	_ =	shalt  }
0x42: {  	_ =	shalt  }
0x43: {  	_ =	shalt  }
0x44: {  	_ =	shalt  }
0x45: {  	_ =	shalt  }
0x46: {  	_ =	shalt  }
0x47: {  	_ =	shalt  }
0x48: {  	_ =	shalt  }
0x49: {  	_ =	shalt  }
0x4a: {  	_ =	shalt  }
0x4b: {  	_ =	shalt  }
0x4c: {  	_ =	shalt  }
0x4d: {  	_ =	shalt  }
0x4e: {  	_ =	shalt  }
0x4f: {  	_ =	shalt  }
0x50: {  	_ =	shalt  }
0x51: {  	_ =	shalt  }
0x52: {  	_ =	shalt  }
0x53: {  	_ =	shalt  }
0x54: {  	_ =	shalt  }
0x55: {  	_ =	shalt  }
0x56: {  	_ =	shalt  }
0x57: {  	_ =	shalt  }
0x58: {  	_ =	shalt  }
0x59: {  	_ =	shalt  }
0x5a: {  	_ =	shalt  }
0x5b: {  	_ =	shalt  }
0x5c: {  	_ =	shalt  }
0x5d: {  	_ =	shalt  }
0x5e: {  	_ =	shalt  }
0x5f: {  	_ =	shalt  }
0x60: {  	_ =	shalt  }
0x61: {  	_ =	shalt  }
0x62: {  	_ =	shalt  }
0x63: {  	_ =	shalt  }
0x64: {  	_ =	shalt  }
0x65: {  	_ =	shalt  }
0x66: {  	_ =	shalt  }
0x67: {  	_ =	shalt  }
0x68: {  	_ =	shalt  }
0x69: {  	_ =	shalt  }
0x6a: {  	_ =	shalt  }
0x6b: {  	_ =	shalt  }
0x6c: {  	_ =	shalt  }
0x6d: {  	_ =	shalt  }
0x6e: {  	_ =	shalt  }
0x6f: {  	_ =	shalt  }
0x70: {  	_ =	shalt  }
0x71: {  	_ =	shalt  }
0x72: {  	_ =	shalt  }
0x73: {  	_ =	shalt  }
0x74: {  	_ =	shalt  }
0x75: {  	_ =	shalt  }
0x76: {  	_ =	shalt  }
0x77: {  	_ =	shalt  }
0x78: {  	_ =	shalt  }
0x79: {  	_ =	shalt  }
0x7a: {  	_ =	shalt  }
0x7b: {  	_ =	shalt  }
0x7c: {  	_ =	shalt  }
0x7d: {  	_ =	shalt  }
0x7e: {  	_ =	shalt  }
0x7f: {  	_ =	shalt  }
0x80: {  	_ =	shalt  }
0x81: {  	_ =	shalt  }
0x82: {  	_ =	shalt  }
0x83: {  	_ =	shalt  }
0x84: {  	_ =	shalt  }
0x85: {  	_ =	shalt  }
0x86: {  	_ =	shalt  }
0x87: {  	_ =	shalt  }
.Lfunc_end0:
.L_simem_size_0:
called_computation.1_lowered:
.L_overlay_start_0:
0x88: {  	s2 =	sld [smem:$0x3FD9]  }
0x89: {  	s3 =	sld [smem:$0x3FFE];
	_ =	sdelay $0x1  }
0x8a: {  	s1 =	srdreg.scid  }
0x8b: {  	s0 =	sand.u32 $0x1, s1  }
0x8c: {  	s17 =	sshll.u32 s0, $0xA;
	s2 =	sadd.s32 s3, s2  }
0x8d: {  	s2 =	sadd.s32 s2, s17  }
0x8e: {  	[smem:$0x3FC6] =	sst s2  }
0x8f: {  	_ = 	snop  }
0x90: {  	s2 =	sld [smem:$0x3FD0];
	(tm) =	ssettm $0x1  }
0x91: {  	s18 =	sld [smem:$0x3FFB];
	_ =	sdelay $0x3  }
0x92: {  	_ =	strace s18  }
0x93: {  	s3 =	sld [smem:$0x3FFC];
	_ =	sdelay $0x3  }
0x94: {  	_ =	strace s3  }
0x95: {  	s3 =	sld [smem:$0x3FFD];
	_ =	sdelay $0x3  }
0x96: {  	_ =	strace s3  }
0x97: {  	_ =	strace $0x8FFFFFFF  }
0x98: {  	s19 =	sld [smem:$0x3FDB];
	_ =	sdelay $0x1  }
0x99: {  	s4 =	simm.s32 $_scs_section_size  }
0x9a: {  	s5 =	simm.s32 $_size__tile_overlayer_lowered;
	s6 =	simm.s32 $_tile_overlayer_lowered  }
0x9b: {  	s22 =	simm.s32 $0x1BFF;
	s21 =	sshll.u32 s6, $0x1;
	s3 =	sadd.s32 s4, s19  }
0x9c: {  	s7 =	simm.s32 $0x0;
	s20 =	sshll.u32 s5, $0x1;
	s5 =	sadd.s32 s21, s3  }
0x9d: {  	[timem:s7], [sflag:s22] =	dma.local [hbm:s5], s20  }
0x9e: {  	_ =	swait.ge [sflag:s22], s20  }
0x9f: {  	s4 =	ssub.s32 $0x0, s20;
	[sflag:s22] =	ssyncset.done $0x0  }
0xa0: {  	[sflag:s22] =	ssyncadd.s32 s4;
	_ =	sdelay $0x1  }
0xa1: {  	s23 =	simm.s32 $0x1B8B  }
0xa2: {  	_ =	swait.ge [sflag:s23], $0x1  }
0xa3: {  	[sflag:s23] =	ssyncset.done $0x0  }
0xa4: {  	s25 =	simm.s32 $0x1B8E;
	s24 =	sld [smem:$0x3FFE];
	[sflag:s23] =	ssyncadd.s32 $0xFFFFFFFF  }
0xa5: {  	s26 =	simm.s32 $execute0_lowered;
	[smem:$0x3FD2] =	sst s25  }
0xa6: {  	s5 =	sshll.u32 s26, $0x1;
	_ =	strace $0x80000046;
	[dreg:$0x1] =	wrdreg $0xFFFFFFFF  }
0xa7: {  	s28 =	simm.s32 $_size_execute0_lowered;
	s3 =	sadd.s32 s3, s5;
	[dreg:$0x0] =	wrdreg $0x0  }
0xa8: {  	s5 =	sshll.u32 s28, $0x1;
	[dreg:$0x2] =	wrdreg s3  }
0xa9: {  	[dreg:$0x3] =	wrdreg s5  }
0xaa: {  	[dreg:$0x4] =	wrdreg $0xC0  }
0xab: {  	_ =	task [dreg:s7], $0x5FFFF  }
0xac: {  	[dreg:$0x1] =	wrdreg $0xFFFFFFFF  }
0xad: {  	[dreg:$0x0] =	wrdreg $0x60  }
0xae: {  	[dreg:$0x2] =	wrdreg s24  }
0xaf: {  	[dreg:$0x3] =	wrdreg s2  }
0xb0: {  	[dreg:$0x4] =	wrdreg $0x9  }
0xb1: {  	_ =	task.clear_ibuf [dreg:s7], $0x5FFFF;
	_ =	strace $0x90000046  }
0xb2: {  	s29 =	simm.s32 $0x9;
	_ =	strace $0x80000048  }
0xb3: {  	_ =	swait.ge [sflag:s29], $0x1  }
0xb4: {  	[sflag:s29] =	ssyncadd.s32 $0xFFFFFFFF  }
0xb5: {  	_ =	strace $0x90000048  }
0xb6: {  	_ =	sfence  }
0xb7: {  	s30 =	sld [smem:$0x0];
	_ =	sdelay $0x2  }
0xb8: {  	s31 =	sshll.u32 s1, $0xD;
	s1 =	sshrl.u32 s1, $0x2  }
0xb9: {  	s3 =	sand.u32 $0x4000, s31;
	s1 =	sadd.s32 s1, s30  }
0xba: {  	s0 =	sor.u32 s3, s0;
	s1 =	sshll.u32 s1, $0x11  }
0xbb: {  	s0 =	sor.u32 s1, s0  }
0xbc: {  	s0 =	sadd.s32 $0x8F2B, s0  }
0xbd: {  	[sflag:s0] =	ssyncadd.remote.s32 $0x1  }
0xbe: {  	_ =	sfence.sel $0xFFFF  }
0xbf: {  	[dreg:$0x0] =	wrdreg $0xFFFFFFFF;
	(pc) =	sbr.abs _section_cstart, $3  }
0xc0: {  	[dreg:$0x1] =	wrdreg $0xFFFFFFFF  }
0xc1: {  	_ =	task.clear_ibuf [dreg:s7], $0x2FFFF;
	_ =	strace $0x9FFFFFFF  }
0xc2: {  	(tm) =	ssettm $0x7FFFFFFF  }
0xc3: {  	_ =	shalt  }
tec
execute0_lowered:
.L_overlay_start_1:
0x0: {  	(tag) =	ssettag $0x1  }
0x1: {  	s6 =	rddreg [dreg:$0x0]  }
0x2: {  	s8 =	rddreg [dreg:$0x1]  }
0x3: {  	s0 =	rddreg [dreg:$0x2];
	s2 =	simm.s32 $0x0;
	s3 =	srdreg.scid  }
0x4: {  	s1 =	stileid.u32;
	[smem:$0x7FF] =	sst s2  }
0x5: {  	s4 =	sadd.s32 $0x1600, s6;
	s25 =	sand.u32 $0x1, s3;
	s3 =	sadd.s32 $0x2400, s6  }
0x6: {  	s5 =	smul.u32 $0xC8, s1;
	s9 =	sshll.u32 s1, $0x4;
	p0 =	seq.s32 s25, $0x1  }
0x7: {  	_ =	strace $0x80000047;
	s7 =	sshll.u32 s25, $0x8;
	s4 =	smov.u32 @p0 s3  }
0x8: {  	s7 =	sor.u32 s9, s7;
	s3 =	sadd.s32 s4, s5;
	s4 =	simm.s32 $0x2  }
0x9: {  	[tilespmem:s2], [sflag:$0x2] =	stream.linear.gather [hbm4b:s3+s2], $0x640, $0x38;
	[tilespmem:$0x16680] =	vst v63  }
0xa: {  	s5 =	sadd.s32 $0x1000, s6;
	s9 =	smul.u32 $0x4E2, s7;
	_ =	swait.ge [sflag:s4], $0x640  }
0xb: {  	s6 =	sadd.s32 $0xA00, s6;
	s10 =	smul.u32 $0x2710, s7;
	[sflag:s4] =	ssyncset.done $0x0  }
0xc: {  	s5 =	smov.u32 @p0 s6;
	s6 =	simm.s32 $0x680;
	[sflag:s4] =	ssyncadd.s32 $0xFFFFF9C0  }
0xd: {  	[tilespmem:s6], [sflag:$0x2] =	stream.linear.gather [hbm4b:s5+s2], $0x2780, $0x38;
	[tilespmem:$0x16680] =	vst v63  }
0xe: {  	_ =	swait.ge [sflag:s4], $0x2780  }
0xf: {  	s7 =	sadd.s32 s8, s9;
	s31 =	sshrl.u32 s10, $0x3;
	[sflag:s4] =	ssyncset.done $0x0  }
0x10: {  	s24 =	sadd.s32 s8, s31;
	s8 =	simm.s32 $0x2E00;
	[sflag:s4] =	ssyncadd.s32 $0xFFFFD880  }
0x11: {  	[hbm4b:s7+s2] =	stream.linear.scatter [tilespmem:s8], [sflag:$0x1], $0x13880, $0x38;
	[tilespmem:$0x16680] =	vst v63  }
0x12: {  	s9 =	sadd.s32 $0x9C400, s24  }
0x13: {  	[hbm4b:s9+s2] =	stream.linear.scatter [tilespmem:s8], [sflag:$0x1], $0x13880, $0x38;
	[tilespmem:$0x16680] =	vst v63  }
0x14: {  	s10 =	sadd.s32 $0x138800, s24  }
0x15: {  	[hbm4b:s10+s2] =	stream.linear.scatter [tilespmem:s8], [sflag:$0x1], $0x13880, $0x38;
	[tilespmem:$0x16680] =	vst v63  }
0x16: {  	s11 =	sadd.s32 $0x1D4C00, s24  }
0x17: {  	[hbm4b:s11+s2] =	stream.linear.scatter [tilespmem:s8], [sflag:$0x1], $0x13880, $0x38;
	[tilespmem:$0x16680] =	vst v63  }
0x18: {  	s12 =	sadd.s32 $0x271000, s24  }
0x19: {  	[hbm4b:s12+s2] =	stream.linear.scatter [tilespmem:s8], [sflag:$0x1], $0x13880, $0x38;
	[tilespmem:$0x16680] =	vst v63  }
0x1a: {  	s13 =	sadd.s32 $0x30D400, s24  }
0x1b: {  	[hbm4b:s13+s2] =	stream.linear.scatter [tilespmem:s8], [sflag:$0x1], $0x13880, $0x38;
	[tilespmem:$0x16680] =	vst v63  }
0x1c: {  	s14 =	sadd.s32 $0x3A9800, s24  }
0x1d: {  	[hbm4b:s14+s2] =	stream.linear.scatter [tilespmem:s8], [sflag:$0x1], $0x13880, $0x38;
	[tilespmem:$0x16680] =	vst v63  }
0x1e: {  	s15 =	simm.s32 $0x1;
	s16 =	sadd.s32 $0x445C00, s24  }
0x1f: {  	[hbm4b:s16+s2] =	stream.linear.scatter [tilespmem:s8], [sflag:$0x1], $0x13880, $0x38;
	[tilespmem:$0x16680] =	vst v63  }
0x20: {  	_ =	swait.ge [sflag:s15], $0x13880  }
0x21: {  	[sflag:s15] =	ssyncset.done $0x0  }
0x22: {  	[sflag:s15] =	ssyncadd.s32 $0xFFFEC780  }
0x23: {  	_ =	swait.ge [sflag:s15], $0x13880  }
0x24: {  	[sflag:s15] =	ssyncset.done $0x0  }
0x25: {  	[sflag:s15] =	ssyncadd.s32 $0xFFFEC780  }
0x26: {  	_ =	swait.ge [sflag:s15], $0x13880  }
0x27: {  	[sflag:s15] =	ssyncset.done $0x0  }
0x28: {  	[sflag:s15] =	ssyncadd.s32 $0xFFFEC780  }
0x29: {  	_ =	swait.ge [sflag:s15], $0x13880  }
0x2a: {  	[sflag:s15] =	ssyncset.done $0x0  }
0x2b: {  	[sflag:s15] =	ssyncadd.s32 $0xFFFEC780  }
0x2c: {  	_ =	swait.ge [sflag:s15], $0x13880  }
0x2d: {  	[sflag:s15] =	ssyncset.done $0x0  }
0x2e: {  	[sflag:s15] =	ssyncadd.s32 $0xFFFEC780  }
0x2f: {  	_ =	swait.ge [sflag:s15], $0x13880  }
0x30: {  	[sflag:s15] =	ssyncset.done $0x0  }
0x31: {  	[sflag:s15] =	ssyncadd.s32 $0xFFFEC780  }
0x32: {  	_ =	swait.ge [sflag:s15], $0x13880  }
0x33: {  	[sflag:s15] =	ssyncset.done $0x0  }
0x34: {  	[sflag:s15] =	ssyncadd.s32 $0xFFFEC780  }
0x35: {  	_ =	swait.ge [sflag:s15], $0x13880  }
0x36: {  	[sflag:s15] =	ssyncset.done $0x0  }
0x37: {  	s17 =	sadd.s32 $0x2710, s24;
	[sflag:s15] =	ssyncadd.s32 $0xFFFEC780  }
0x38: {  	[hbm4b:s17+s2] =	stream.linear.scatter [tilespmem:s8], [sflag:$0x1], $0x13880, $0x38;
	[tilespmem:$0x16680] =	vst v63  }
0x39: {  	s18 =	sadd.s32 $0x9EB10, s24  }
0x3a: {  	[hbm4b:s18+s2] =	stream.linear.scatter [tilespmem:s8], [sflag:$0x1], $0x13880, $0x38;
	[tilespmem:$0x16680] =	vst v63  }
0x3b: {  	s19 =	sadd.s32 $0x13AF10, s24  }
0x3c: {  	[hbm4b:s19+s2] =	stream.linear.scatter [tilespmem:s8], [sflag:$0x1], $0x13880, $0x38;
	[tilespmem:$0x16680] =	vst v63  }
0x3d: {  	s20 =	sadd.s32 $0x1D7310, s24  }
0x3e: {  	[hbm4b:s20+s2] =	stream.linear.scatter [tilespmem:s8], [sflag:$0x1], $0x13880, $0x38;
	[tilespmem:$0x16680] =	vst v63  }
0x3f: {  	s21 =	sadd.s32 $0x273710, s24  }
0x40: {  	[hbm4b:s21+s2] =	stream.linear.scatter [tilespmem:s8], [sflag:$0x1], $0x13880, $0x38;
	[tilespmem:$0x16680] =	vst v63  }
0x41: {  	s22 =	sadd.s32 $0x30FB10, s24  }
0x42: {  	[hbm4b:s22+s2] =	stream.linear.scatter [tilespmem:s8], [sflag:$0x1], $0x13880, $0x38;
	[tilespmem:$0x16680] =	vst v63  }
0x43: {  	s23 =	sadd.s32 $0x3ABF10, s24  }
0x44: {  	[hbm4b:s23+s2] =	stream.linear.scatter [tilespmem:s8], [sflag:$0x1], $0x13880, $0x38;
	[tilespmem:$0x16680] =	vst v63  }
0x45: {  	s24 =	sadd.s32 $0x448310, s24  }
0x46: {  	[hbm4b:s24+s2] =	stream.linear.scatter [tilespmem:s8], [sflag:$0x1], $0x13880, $0x38;
	[tilespmem:$0x16680] =	vst v63  }
0x47: {  	_ =	swait.ge [sflag:s15], $0x13880  }
0x48: {  	[sflag:s15] =	ssyncset.done $0x0  }
0x49: {  	[sflag:s15] =	ssyncadd.s32 $0xFFFEC780  }
0x4a: {  	_ =	swait.ge [sflag:s15], $0x13880  }
0x4b: {  	[sflag:s15] =	ssyncset.done $0x0  }
0x4c: {  	[sflag:s15] =	ssyncadd.s32 $0xFFFEC780  }
0x4d: {  	_ =	swait.ge [sflag:s15], $0x13880  }
0x4e: {  	[sflag:s15] =	ssyncset.done $0x0  }
0x4f: {  	[sflag:s15] =	ssyncadd.s32 $0xFFFEC780  }
0x50: {  	_ =	swait.ge [sflag:s15], $0x13880  }
0x51: {  	[sflag:s15] =	ssyncset.done $0x0  }
0x52: {  	[sflag:s15] =	ssyncadd.s32 $0xFFFEC780  }
0x53: {  	_ =	swait.ge [sflag:s15], $0x13880  }
0x54: {  	s25 =	ssub.s32 $0x2, s25;
	[sflag:s15] =	ssyncset.done $0x0  }
0x55: {  	s26 =	sshrl.u32 s25, $0x1;
	[sflag:s15] =	ssyncadd.s32 $0xFFFEC780  }
0x56: {  	s25 =	ssub.s32 s25, s26;
	_ =	swait.ge [sflag:s15], $0x13880  }
0x57: {  	s25 =	smax.u32 s25, $0x1;
	[sflag:s15] =	ssyncset.done $0x0  }
0x58: {  	p0 =	sne.s32 s25, $0x1;
	[sflag:s15] =	ssyncadd.s32 $0xFFFEC780  }
.Ltmp0:
0x59: {  	_ =	swait.ge [sflag:s15], $0x13880;
	(pc) =	sbr.rel @!p0 .LBB2_2-.Ltmp0, $4  }
0x5a: {  	[sflag:s15] =	ssyncset.done $0x0  }
0x5b: {  	[sflag:s15] =	ssyncadd.s32 $0xFFFEC780  }
0x5c: {  	_ =	swait.ge [sflag:s15], $0x13880  }
0x5d: {  	s25 =	sadd.s32 $0xFFFFFFFF, s25;
	[sflag:s15] =	ssyncset.done $0x0  }
.LBB2_1:
0x5e: {  	p0 =	sne.s32 s25, $0x1;
	s25 =	sadd.s32 $0xFFFFFFFF, s25;
	[sflag:s15] =	ssyncadd.s32 $0xFFFEC780  }
0x5f: {  	[tilespmem:s2], [sflag:$0x2] =	stream.linear.gather [hbm4b:s3+s2], $0x640, $0x38;
	[tilespmem:$0x16680] =	vst v63  }
0x60: {  	_ =	swait.ge [sflag:s4], $0x640  }
0x61: {  	[sflag:s4] =	ssyncset.done $0x0  }
0x62: {  	[sflag:s4] =	ssyncadd.s32 $0xFFFFF9C0  }
0x63: {  	[tilespmem:s6], [sflag:$0x2] =	stream.linear.gather [hbm4b:s5+s2], $0x2780, $0x38;
	[tilespmem:$0x16680] =	vst v63  }
0x64: {  	_ =	swait.ge [sflag:s4], $0x2780  }
0x65: {  	[sflag:s4] =	ssyncset.done $0x0  }
0x66: {  	[sflag:s4] =	ssyncadd.s32 $0xFFFFD880  }
0x67: {  	[hbm4b:s7+s2] =	stream.linear.scatter [tilespmem:s8], [sflag:$0x1], $0x13880, $0x38;
	[tilespmem:$0x16680] =	vst v63  }
0x68: {  	_ = 	snop  }
0x69: {  	[hbm4b:s9+s2] =	stream.linear.scatter [tilespmem:s8], [sflag:$0x1], $0x13880, $0x38;
	[tilespmem:$0x16680] =	vst v63  }
0x6a: {  	_ = 	snop  }
0x6b: {  	[hbm4b:s10+s2] =	stream.linear.scatter [tilespmem:s8], [sflag:$0x1], $0x13880, $0x38;
	[tilespmem:$0x16680] =	vst v63  }
0x6c: {  	_ = 	snop  }
0x6d: {  	[hbm4b:s11+s2] =	stream.linear.scatter [tilespmem:s8], [sflag:$0x1], $0x13880, $0x38;
	[tilespmem:$0x16680] =	vst v63  }
0x6e: {  	_ = 	snop  }
0x6f: {  	[hbm4b:s12+s2] =	stream.linear.scatter [tilespmem:s8], [sflag:$0x1], $0x13880, $0x38;
	[tilespmem:$0x16680] =	vst v63  }
0x70: {  	_ = 	snop  }
0x71: {  	[hbm4b:s13+s2] =	stream.linear.scatter [tilespmem:s8], [sflag:$0x1], $0x13880, $0x38;
	[tilespmem:$0x16680] =	vst v63  }
0x72: {  	_ = 	snop  }
0x73: {  	[hbm4b:s14+s2] =	stream.linear.scatter [tilespmem:s8], [sflag:$0x1], $0x13880, $0x38;
	[tilespmem:$0x16680] =	vst v63  }
0x74: {  	_ = 	snop  }
0x75: {  	[hbm4b:s16+s2] =	stream.linear.scatter [tilespmem:s8], [sflag:$0x1], $0x13880, $0x38;
	[tilespmem:$0x16680] =	vst v63  }
0x76: {  	_ =	swait.ge [sflag:s15], $0x13880  }
0x77: {  	[sflag:s15] =	ssyncset.done $0x0  }
0x78: {  	[sflag:s15] =	ssyncadd.s32 $0xFFFEC780  }
0x79: {  	_ =	swait.ge [sflag:s15], $0x13880  }
0x7a: {  	[sflag:s15] =	ssyncset.done $0x0  }
0x7b: {  	[sflag:s15] =	ssyncadd.s32 $0xFFFEC780  }
0x7c: {  	_ =	swait.ge [sflag:s15], $0x13880  }
0x7d: {  	[sflag:s15] =	ssyncset.done $0x0  }
0x7e: {  	[sflag:s15] =	ssyncadd.s32 $0xFFFEC780  }
0x7f: {  	_ =	swait.ge [sflag:s15], $0x13880  }
0x80: {  	[sflag:s15] =	ssyncset.done $0x0  }
0x81: {  	[sflag:s15] =	ssyncadd.s32 $0xFFFEC780  }
0x82: {  	_ =	swait.ge [sflag:s15], $0x13880  }
0x83: {  	[sflag:s15] =	ssyncset.done $0x0  }
0x84: {  	[sflag:s15] =	ssyncadd.s32 $0xFFFEC780  }
0x85: {  	_ =	swait.ge [sflag:s15], $0x13880  }
0x86: {  	[sflag:s15] =	ssyncset.done $0x0  }
0x87: {  	[sflag:s15] =	ssyncadd.s32 $0xFFFEC780  }
0x88: {  	_ =	swait.ge [sflag:s15], $0x13880  }
0x89: {  	[sflag:s15] =	ssyncset.done $0x0  }
0x8a: {  	[sflag:s15] =	ssyncadd.s32 $0xFFFEC780  }
0x8b: {  	_ =	swait.ge [sflag:s15], $0x13880  }
0x8c: {  	[sflag:s15] =	ssyncset.done $0x0  }
0x8d: {  	[sflag:s15] =	ssyncadd.s32 $0xFFFEC780  }
0x8e: {  	[hbm4b:s17+s2] =	stream.linear.scatter [tilespmem:s8], [sflag:$0x1], $0x13880, $0x38;
	[tilespmem:$0x16680] =	vst v63  }
0x8f: {  	_ = 	snop  }
0x90: {  	[hbm4b:s18+s2] =	stream.linear.scatter [tilespmem:s8], [sflag:$0x1], $0x13880, $0x38;
	[tilespmem:$0x16680] =	vst v63  }
0x91: {  	_ = 	snop  }
0x92: {  	[hbm4b:s19+s2] =	stream.linear.scatter [tilespmem:s8], [sflag:$0x1], $0x13880, $0x38;
	[tilespmem:$0x16680] =	vst v63  }
0x93: {  	_ = 	snop  }
0x94: {  	[hbm4b:s20+s2] =	stream.linear.scatter [tilespmem:s8], [sflag:$0x1], $0x13880, $0x38;
	[tilespmem:$0x16680] =	vst v63  }
0x95: {  	_ = 	snop  }
0x96: {  	[hbm4b:s21+s2] =	stream.linear.scatter [tilespmem:s8], [sflag:$0x1], $0x13880, $0x38;
	[tilespmem:$0x16680] =	vst v63  }
0x97: {  	_ = 	snop  }
0x98: {  	[hbm4b:s22+s2] =	stream.linear.scatter [tilespmem:s8], [sflag:$0x1], $0x13880, $0x38;
	[tilespmem:$0x16680] =	vst v63  }
0x99: {  	_ = 	snop  }
0x9a: {  	[hbm4b:s23+s2] =	stream.linear.scatter [tilespmem:s8], [sflag:$0x1], $0x13880, $0x38;
	[tilespmem:$0x16680] =	vst v63  }
0x9b: {  	_ = 	snop  }
0x9c: {  	[hbm4b:s24+s2] =	stream.linear.scatter [tilespmem:s8], [sflag:$0x1], $0x13880, $0x38;
	[tilespmem:$0x16680] =	vst v63  }
0x9d: {  	_ =	swait.ge [sflag:s15], $0x13880  }
0x9e: {  	[sflag:s15] =	ssyncset.done $0x0  }
0x9f: {  	[sflag:s15] =	ssyncadd.s32 $0xFFFEC780  }
0xa0: {  	_ =	swait.ge [sflag:s15], $0x13880  }
0xa1: {  	[sflag:s15] =	ssyncset.done $0x0  }
0xa2: {  	[sflag:s15] =	ssyncadd.s32 $0xFFFEC780  }
0xa3: {  	_ =	swait.ge [sflag:s15], $0x13880  }
0xa4: {  	[sflag:s15] =	ssyncset.done $0x0  }
0xa5: {  	[sflag:s15] =	ssyncadd.s32 $0xFFFEC780  }
0xa6: {  	_ =	swait.ge [sflag:s15], $0x13880  }
0xa7: {  	[sflag:s15] =	ssyncset.done $0x0  }
0xa8: {  	[sflag:s15] =	ssyncadd.s32 $0xFFFEC780  }
0xa9: {  	_ =	swait.ge [sflag:s15], $0x13880  }
0xaa: {  	[sflag:s15] =	ssyncset.done $0x0  }
0xab: {  	[sflag:s15] =	ssyncadd.s32 $0xFFFEC780  }
0xac: {  	_ =	swait.ge [sflag:s15], $0x13880  }
0xad: {  	[sflag:s15] =	ssyncset.done $0x0  }
0xae: {  	[sflag:s15] =	ssyncadd.s32 $0xFFFEC780  }
.Ltmp1:
0xaf: {  	_ =	swait.ge [sflag:s15], $0x13880;
	(pc) =	sbr.rel @p0 .LBB2_1-.Ltmp1, $4  }
0xb0: {  	[sflag:s15] =	ssyncset.done $0x0  }
0xb1: {  	[sflag:s15] =	ssyncadd.s32 $0xFFFEC780  }
0xb2: {  	_ =	swait.ge [sflag:s15], $0x13880  }
0xb3: {  	[sflag:s15] =	ssyncset.done $0x0  }
.LBB2_2:
0xb4: {  	[sflag:s15] =	ssyncadd.s32 $0xFFFEC780  }
0xb5: {  	_ =	sfence.sel $0x180000  }
0xb6: {  	[bflag:$0x0] =	sbarrier.arrive $0xFFFF  }
0xb7: {  	p0 =	sne.s32 s1, $0x0;
	_ =	strace $0x90000047  }
0xb8: {  	s0 =	sadd.s32 @!p0 $0x100000, s0;
	[bflag:$0x2] =	sbarrier.arrive $0xFFFF  }
0xb9: {  	[sflag:s0] =	ssyncadd.tile.s32 @!p0 $0x1;
	_ =	shalt  }
.Lfunc_end2:
_tile_overlayer_lowered:
.L_overlay_start_2:
0xba: {  	(tag) =	ssettag $0x2  }
0xbb: {  	s0 =	rddreg [dreg:$0x0];
	s2 =	stileid.u32  }
0xbc: {  	s1 =	rddreg [dreg:$0x1];
	p0 =	sne.s32 s2, $0x0  }
0xbd: {  	s3 =	rddreg [dreg:$0x2];
	[bflag:$0x3] =	sbarrier.arrive $0xFFFF;
	s2 =	simm.s32 @!p0 $0x1C02  }
0xbe: {  	[timem:s3], [sflag:s2] =	dma.local @!p0 [hbm:s0], s1  }
0xbf: {  	s0 =	simm.s32 @!p0 $0x2  }
0xc0: {  	_ =	swait.ge @!p0 [sflag:s0], s1  }
0xc1: {  	s1 =	ssub.s32 @!p0 $0x0, s1;
	[sflag:s0] =	ssyncset.done @!p0 $0x0  }
0xc2: {  	[sflag:s0] =	ssyncadd.s32 @!p0 s1  }
0xc3: {  	[bflag:$0x3] =	sbarrier.arrive $0xFFFF  }
0xc4: {  	_ =	shalt  }

// kernel: sparse-core-data-format-call.cloned.1.call-start
scs
called_computation_lowered:
.L_overlay_start_0:
0x0: {  	s2 =	sld [smem:$0x3FD9]  }
0x1: {  	s3 =	sld [smem:$0x3FFE];
	_ =	sdelay $0x1  }
0x2: {  	s1 =	srdreg.scid  }
0x3: {  	s0 =	sand.u32 $0x1, s1  }
0x4: {  	s18 =	sshll.u32 s0, $0xA;
	s2 =	sadd.s32 s3, s2  }
0x5: {  	s2 =	sadd.s32 s2, s18  }
0x6: {  	[smem:$0x3FC6] =	sst s2  }
0x7: {  	_ = 	snop  }
0x8: {  	s2 =	sld [smem:$0x3FD0];
	(tm) =	ssettm $0x1  }
0x9: {  	s19 =	sld [smem:$0x3FFB];
	_ =	sdelay $0x3  }
0xa: {  	_ =	strace s19  }
0xb: {  	s3 =	sld [smem:$0x3FFC];
	_ =	sdelay $0x3  }
0xc: {  	_ =	strace s3  }
0xd: {  	s3 =	sld [smem:$0x3FFD];
	_ =	sdelay $0x3  }
0xe: {  	_ =	strace s3  }
0xf: {  	_ =	strace $0x8FFFFFFF  }
0x10: {  	s20 =	sld [smem:$0x3FDB];
	_ =	sdelay $0x1  }
0x11: {  	s4 =	simm.s32 $_scs_section_size  }
0x12: {  	s5 =	simm.s32 $_size__tile_overlayer_lowered;
	s6 =	simm.s32 $_tile_overlayer_lowered  }
0x13: {  	s23 =	simm.s32 $0x1BFF;
	s22 =	sshll.u32 s6, $0x1;
	s3 =	sadd.s32 s4, s20  }
0x14: {  	s7 =	simm.s32 $0x0;
	s21 =	sshll.u32 s5, $0x1;
	s5 =	sadd.s32 s22, s3  }
0x15: {  	[timem:s7], [sflag:s23] =	dma.local [hbm:s5], s21  }
0x16: {  	_ =	swait.ge [sflag:s23], s21  }
0x17: {  	s4 =	ssub.s32 $0x0, s21;
	[sflag:s23] =	ssyncset.done $0x0  }
0x18: {  	[sflag:s23] =	ssyncadd.s32 s4;
	_ =	sdelay $0x1  }
0x19: {  	s24 =	simm.s32 $0x1B8B  }
0x1a: {  	_ =	swait.ge [sflag:s24], $0x1  }
0x1b: {  	[sflag:s24] =	ssyncset.done $0x0  }
0x1c: {  	s26 =	simm.s32 $0x1B8E;
	s25 =	sld [smem:$0x3FFE];
	[sflag:s24] =	ssyncadd.s32 $0xFFFFFFFF  }
0x1d: {  	s27 =	simm.s32 $execute0_lowered;
	[smem:$0x3FD2] =	sst s26  }
0x1e: {  	s5 =	sshll.u32 s27, $0x1;
	_ =	strace $0x80000049;
	[dreg:$0x1] =	wrdreg $0xFFFFFFFF  }
0x1f: {  	s28 =	simm.s32 $_size_execute0_lowered;
	s3 =	sadd.s32 s3, s5;
	[dreg:$0x0] =	wrdreg $0x0  }
0x20: {  	s5 =	sshll.u32 s28, $0x1;
	[dreg:$0x2] =	wrdreg s3  }
0x21: {  	[dreg:$0x3] =	wrdreg s5  }
0x22: {  	[dreg:$0x4] =	wrdreg $0xC0  }
0x23: {  	_ =	task [dreg:s7], $0x5FFFF  }
0x24: {  	[dreg:$0x1] =	wrdreg $0xFFFFFFFF  }
0x25: {  	[dreg:$0x0] =	wrdreg $0x60  }
0x26: {  	[dreg:$0x2] =	wrdreg s25  }
0x27: {  	[dreg:$0x3] =	wrdreg s2  }
0x28: {  	[dreg:$0x4] =	wrdreg $0x9  }
0x29: {  	_ =	task.clear_ibuf [dreg:s7], $0x5FFFF;
	_ =	strace $0x90000049  }
0x2a: {  	s29 =	simm.s32 $0x9;
	_ =	strace $0x8000004B  }
0x2b: {  	_ =	swait.ge [sflag:s29], $0x1  }
0x2c: {  	[sflag:s29] =	ssyncadd.s32 $0xFFFFFFFF  }
0x2d: {  	_ =	strace $0x9000004B  }
0x2e: {  	_ =	sfence  }
0x2f: {  	s30 =	sld [smem:$0x0];
	_ =	sdelay $0x2  }
0x30: {  	s31 =	sshll.u32 s1, $0xD;
	s1 =	sshrl.u32 s1, $0x2  }
0x31: {  	s3 =	sand.u32 $0x4000, s31;
	s1 =	sadd.s32 s1, s30  }
0x32: {  	s0 =	sor.u32 s3, s0;
	s1 =	sshll.u32 s1, $0x11  }
0x33: {  	s0 =	sor.u32 s1, s0  }
0x34: {  	s0 =	sadd.s32 $0x8F2B, s0  }
0x35: {  	[sflag:s0] =	ssyncadd.remote.s32 $0x1  }
0x36: {  	_ =	sfence.sel $0xFFFF  }
0x37: {  	[dreg:$0x0] =	wrdreg $0xFFFFFFFF;
	(pc) =	sbr.abs _section_cstart, $3  }
0x38: {  	[dreg:$0x1] =	wrdreg $0xFFFFFFFF  }
0x39: {  	_ =	task.clear_ibuf [dreg:s7], $0x2FFFF;
	_ =	strace $0x9FFFFFFF  }
0x3a: {  	(tm) =	ssettm $0x7FFFFFFF  }
0x3b: {  	_ =	shalt  }
tec
execute0_lowered:
.L_overlay_start_1:
0x0: {  	(tag) =	ssettag $0x1  }
0x1: {  	s0 =	stileid.u32;
	s5 =	rddreg [dreg:$0x0]  }
0x2: {  	s1 =	srdreg.scid;
	s3 =	rddreg [dreg:$0x1];
	s6 =	simm.s32 $0x1  }
0x3: {  	s8 =	simm.s32 $0x2;
	s2 =	sshll.u32 s0, $0x4;
	s1 =	sshll.u32 s1, $0x8  }
0x4: {  	s19 =	simm.s32 $0x0;
	s9 =	simm.s32 $0x1000;
	s1 =	sor.u32 s2, s1  }
0x5: {  	s17 =	simm.s32 $0x0;
	s18 =	simm.s32 $0x0;
	s2 =	sand.u32 $0x180, s1  }
0x6: {  	s10 =	simm.s32 $0x0;
	s11 =	simm.s32 $0x0;
	s4 =	ssub.s32 $0x200, s2  }
0x7: {  	s12 =	simm.s32 $0x0;
	s13 =	simm.s32 $0x0;
	s31 =	sand.u32 $0x180, s4  }
0x8: {  	s16 =	simm.s32 $0x0;
	s7 =	sand.u32 $0x7, s0;
	p0 =	sne.s32 s31, $0x0  }
.Ltmp0:
0x9: {  	s4 =	sshrl.u32 s4, $0x9;
	s6 =	simm.s32 @!p0 $0x0;
	(pc) =	sbr.rel .LBB1_1-.Ltmp0, $4  }
0xa: {  	s1 =	rddreg [dreg:$0x2];
	_ =	strace $0x8000004A;
	s6 =	sadd.s32 s6, s4  }
0xb: {  	s4 =	sadd.s32 $0xA00, s5;
	s5 =	simm.s32 $0x1;
	s6 =	smul.u32 $0x64, s6  }
0xc: {  	s15 =	smov.u32 s7;
	s14 =	smov.u32 s2;
	[sflag:s5] =	ssyncpa.u1 $0x0  }
0xd: {  	p0 =	por $0x0, $0x0;
	[sflag:s8] =	ssyncpa.u1 $0x0;
	s8 =	sor.u32 $0x1, s6  }
.LBB1_4:
0xe: {  	s24 =	sshra.s32 s24, $0x2;
	p1 =	sgt.s32 s10, $0x63  }
0xf: {  	s25 =	smov.u32 s10;
	s26 =	sshra.s32 s10, $0x1F;
	s27 =	smov.u32 s12  }
0x10: {  	s30 =	sshra.s32 s12, $0x1F;
	s28 =	smov.u32 s11;
	s29 =	sshra.s32 s11, $0x1F  }
0x11: {  	s23 =	sadd.s32 s24, s23;
	s25 =	simm.s32 @!p1 $0x63;
	s26 =	sand.u32 s26, s10  }
0x12: {  	s24 =	sand.u32 $0x78, s11;
	p1 =	sgt.s32 s12, $0x7;
	s25 =	ssub.s32 s25, s26  }
0x13: {  	v5 =	vld [tilespmem:s21+$0xFFFFFFD0];
	[tilespmem:s22+$0x2040 ss:$0x81] =	vst.msk $0xffff, v4;
	s27 =	simm.s32 @!p1 $0x7;
	s26 =	sand.u32 s30, s12;
	p1 =	sgt.s32 s11, $0x180  }
0x14: {  	v58 =	vld [tilespmem:s21+$0xFFFFFFE0];
	[tilespmem:s22+$0x2850 ss:$0x81] =	vst.msk $0xffff, v3;
	s31 =	sand.u32 s29, s11;
	s26 =	ssub.s32 s27, s26;
	s28 =	simm.s32 @!p1 $0x180  }
0x15: {  	v59 =	vld [tilespmem:s21+$0xFFFFFFF0];
	[tilespmem:s22+$0x3060 ss:$0x81] =	vst.msk $0xffff, v2;
	s29 =	sshll.u32 s11, $0x3;
	s27 =	ssub.s32 s28, s31;
	s30 =	sadd.s32 $0xFFFFFFF9, s26  }
0x16: {  	[tilespmem:s22+$0x0 ss:$0x81] =	vst.msk $0xffff, v1;
	v60 =	vld [tilespmem:s21+$0x0];
	s22 =	ssub.s32 $0x8, s26;
	s28 =	sadd.s32 $0xFFFFFF9D, s25;
	s25 =	ssub.s32 $0x64, s25  }
0x17: {  	v61 =	vld [tilespmem:s21+$0x10];
	[tilespmem:s23+$0x3870 ss:$0x81] =	vst.msk $0xffff, v0;
	p1 =	sgt.s32 s30, $0x0;
	s31 =	sadd.s32 $0xFFFFFE80, s27;
	s26 =	ssub.s32 $0x200, s27  }
0x18: {  	v62 =	vld [tilespmem:s21+$0x20];
	[tilespmem:s23+$0x810 ss:$0x81] =	vst.msk $0xffff, v5;
	s30 =	sshll.u32 s12, $0x7;
	s22 =	simm.s32 @p1 $0x0;
	p1 =	sgt.s32 s31, $0x7F  }
0x19: {  	v63 =	vld [tilespmem:s21+$0xFFFFFFC0];
	[tilespmem:s23+$0x1020 ss:$0x81] =	vst.msk $0xffff, v58;
	s25 =	smul.u32 $0x64, s25;
	s31 =	sand.u32 $0xC00, s29;
	s26 =	simm.s32 @p1 $0x0  }
0x1a: {  	[tilespmem:s23+$0x1830 ss:$0x81] =	vst.msk $0xffff, v59;
	s21 =	sand.u32 $0x380, s30;
	p1 =	sgt.s32 s28, $0x0;
	s22 =	smul.u32 s22, s26  }
0x1b: {  	[tilespmem:s23+$0x2040 ss:$0x81] =	vst.msk $0xffff, v60;
	s28 =	smul.u32 $0xC800, s10;
	s21 =	sor.u32 s24, s21;
	s25 =	simm.s32 @p1 $0x0  }
0x1c: {  	[tilespmem:s23+$0x2850 ss:$0x81] =	vst.msk $0xffff, v61;
	s29 =	sand.u32 $0x7, s11;
	s21 =	sor.u32 s31, s21;
	s22 =	smul.u32 s25, s22  }
0x1d: {  	[tilespmem:s23+$0x3060 ss:$0x81] =	vst.msk $0xffff, v62;
	s24 =	sshll.u32 s29, $0x12;
	s21 =	sshrl.u32 s21, $0x3;
	s30 =	sadd.s32 s3, s28  }
0x1e: {  	[tilespmem:s23+$0x0 ss:$0x81] =	vst.msk $0xffff, v63;
	s31 =	sor.u32 $0x80, s24;
	s21 =	sadd.s32 s21, s30;
	s22 =	sand.u32 $0x3FFFFFFC, s22  }
0x1f: {  	[hbm4b:s21+s31] =	stream.strided.scatter [tilespmem:s20], [sflag:$0x2], s22, s9, s31, $0x20;
	[tilespmem:$0x10100] =	vst v63  }
.LBB1_5:
0x20: {  	p1 =	slt.u32 s16, $0x2  }
0x21: {  	s20 =	smov.u32 s19;
	p2 =	sgt.s32 @!p1 s19, $0x63;
	s21 =	sshra.s32 @!p1 s19, $0x1F  }
0x22: {  	s22 =	sshra.s32 @!p1 s17, $0x1F;
	p2 =	por !p2, p1;
	s19 =	sand.u32 @!p1 s21, s19  }
0x23: {  	s21 =	sshra.s32 @!p1 s18, $0x1F;
	s20 =	simm.s32 @p2 $0x63;
	p2 =	sgt.s32 @!p1 s18, $0x7  }
0x24: {  	s19 =	ssub.s32 @!p1 s20, s19;
	p2 =	por !p2, p1;
	s20 =	smov.u32 s18  }
0x25: {  	s18 =	sand.u32 @!p1 s21, s18;
	s20 =	simm.s32 @p2 $0x7;
	p2 =	sgt.s32 @!p1 s17, $0x180  }
0x26: {  	s21 =	smov.u32 s17;
	s17 =	sand.u32 @!p1 s22, s17;
	p2 =	por !p2, p1  }
0x27: {  	s18 =	ssub.s32 @!p1 s20, s18;
	s20 =	sadd.s32 @!p1 $0xFFFFFF9D, s19;
	s21 =	simm.s32 @p2 $0x180  }
0x28: {  	s19 =	ssub.s32 @!p1 $0x64, s19;
	s17 =	ssub.s32 @!p1 s21, s17;
	s21 =	sadd.s32 @!p1 $0xFFFFFFF9, s18  }
0x29: {  	s19 =	smul.u32 @!p1 $0x64, s19;
	p2 =	sgt.s32 @!p1 s21, $0x0;
	s21 =	sadd.s32 @!p1 $0xFFFFFE80, s17  }
0x2a: {  	s18 =	ssub.s32 @!p1 $0x8, s18;
	p2 =	por !p2, p1;
	p3 =	sgt.s32 @!p1 s21, $0x7F  }
0x2b: {  	s17 =	ssub.s32 @!p1 $0x200, s17;
	s18 =	simm.s32 @!p2 $0x0;
	p2 =	por !p3, p1  }
0x2c: {  	s21 =	smov.u32 s14;
	p3 =	sgt.s32 @!p1 s20, $0x0;
	s17 =	simm.s32 @!p2 $0x0  }
0x2d: {  	s20 =	sadd.s32 $0x1, s13;
	p2 =	por !p3, p1;
	s17 =	smul.u32 @!p1 s18, s17  }
0x2e: {  	s19 =	simm.s32 @!p2 $0x0;
	p2 =	sgt.s32 s20, $0x63;
	s18 =	sadd.s32 $0x200, s14  }
0x2f: {  	p0 =	por !p0, !p0;
	s21 =	smov.u32 @p2 s18  }
0x30: {  	s22 =	smov.u32 s15;
	s18 =	sadd.s32 $0x8, s15;
	p3 =	sgt.s32 s21, $0x1FF  }
0x31: {  	s23 =	simm.s32 @!p1 $0x2;
	s20 =	simm.s32 @p2 $0x0;
	s22 =	smov.u32 @p3 s18  }
0x32: {  	s17 =	smul.u32 @!p1 s19, s17;
	s19 =	smov.u32 s10;
	p2 =	sgt.s32 s22, $0x7  }
0x33: {  	s10 =	smov.u32 s13;
	s22 =	smov.u32 @p2 s7;
	p2 =	sne.s32 s16, s8  }
.Ltmp1:
0x34: {  	s13 =	smov.u32 s20;
	s21 =	smov.u32 @p3 s2;
	(pc) =	sbr.rel @!p2 .LBB1_6-.Ltmp1, $4  }
0x35: {  	s18 =	smov.u32 s12;
	s12 =	smov.u32 s15;
	s17 =	sand.u32 @!p1 $0x3FFFFFFC, s17  }
0x36: {  	_ =	swait.ge @!p1 [sflag:s23], s17;
	s24 =	ssub.s32 @!p1 $0x0, s17;
	s17 =	smov.u32 s11  }
0x37: {  	s16 =	sadd.s32 $0x1, s16;
	s11 =	smov.u32 s14;
	[sflag:s23] =	ssyncset.done @!p1 $0x0  }
0x38: {  	s14 =	smov.u32 s21;
	s15 =	smov.u32 s22;
	[sflag:s23] =	ssyncadd.s32 @!p1 s24  }
.LBB1_1:
0x39: {  	p1 =	sge.u32 s16, s6  }
0x3a: {  	s20 =	sand.u32 @!p1 $0x1FFFFFF, s13;
	s22 =	smul.u32 @!p1 $0xD0000, s15  }
0x3b: {  	s21 =	smulhi.u32 @!p1 $0x2762763, s20  }
0x3c: {  	s24 =	smul.u32 @!p1 $0x680, s14  }
0x3d: {  	s21 =	smul.u32 @!p1 $0x68, s21  }
0x3e: {  	s31 =	sadd.s32 $0xFFFFFFFF, s16;
	s22 =	sadd.s32 @!p1 s4, s22  }
0x3f: {  	s23 =	sxor.u32 @!p1 $0xFFFFFFFF, s16;
	s22 =	sadd.s32 @!p1 s24, s22;
	s20 =	ssub.s32 @!p1 s20, s21  }
0x40: {  	s21 =	sshll.u32 @!p1 s23, $0xE;
	s23 =	simm.s32 @!p1 $0x3400;
	s20 =	sshll.u32 @!p1 s20, $0x4  }
0x41: {  	s21 =	sand.u32 @!p1 $0x4000, s21;
	s20 =	sadd.s32 @!p1 s20, s22;
	s22 =	simm.s32 @!p1 $0x80  }
0x42: {  	[tilespmem:s21], [sflag:$0x1] =	stream.strided.gather @!p1 [hbm4b:s20+s22], $0x4000, s23, s22, $0x38;
	[tilespmem:$0x10100] =	vst v63  }
0x43: {  	p1 =	sge.u32 s31, s6  }
.Ltmp2:
0x44: {  	_ = 	snop;
	(pc) =	sbr.rel @p1 .LBB1_5-.Ltmp2, $1  }
0x45: {  	_ =	sdelay $0x3  }
0x46: {  	s20 =	simm.s32 $0x1  }
0x47: {  	_ =	swait.ge [sflag:s5], $0x4000;
	s20 =	simm.s32 @!p0 $0x0  }
0x48: {  	[sflag:s5] =	ssyncset.done $0x0;
	s21 =	sshll.u32 s20, $0xE  }
0x49: {  	[sflag:s5] =	ssyncadd.s32 $0xFFFFC000;
	s21 =	sor.u32 $0x40, s21  }
0x4a: {  	s20 =	smul.u32 $0x10200, s20;
	v0 =	vld [tilespmem:s21+$0x30]  }
0x4b: {  	v1 =	vld [tilespmem:s21+$0xFFFFFFD0]  }
0x4c: {  	s20 =	sshrl.u32 s20, $0x2;
	v5 =	vld [tilespmem:s21+$0xFFFFFFE0]  }
0x4d: {  	v6 =	vld [tilespmem:s21+$0xFFFFFFF0];
	s23 =	sor.u32 $0x8000, s20  }
0x4e: {  	s31 =	sand.u32 $0x1, s16;
	v4 =	vld [tilespmem:s21+$0x0];
	s22 =	sadd.s32 $0x0, s23  }
0x4f: {  	v3 =	vld [tilespmem:s21+$0x10];
	s20 =	smul.u32 $0x10200, s31;
	[tilespmem:s22+$0x3870 ss:$0x81] =	vst.msk $0xffff, v0  }
0x50: {  	v2 =	vld [tilespmem:s21+$0x20];
	[tilespmem:s22+$0x810 ss:$0x81] =	vst.msk $0xffff, v1  }
0x51: {  	s20 =	sshrl.u32 s20, $0x2;
	v1 =	vld [tilespmem:s21+$0xFFFFFFC0];
	[tilespmem:s22+$0x1020 ss:$0x81] =	vst.msk $0xffff, v5;
	s21 =	sadd.s32 $0x80, s21  }
0x52: {  	s24 =	simm.s32 $0x4;
	s25 =	simm.s32 $0x8;
	s20 =	sor.u32 $0x8000, s20;
	[tilespmem:s22+$0x1830 ss:$0x81] =	vst.msk $0xffff, v6;
	v0 =	vld [tilespmem:s21+$0x30]  }
.LBB1_3:
0x53: {  	p1 =	sne.s32 s25, $0x1FC;
	v5 =	vld [tilespmem:s21+$0xFFFFFFD0];
	[tilespmem:s22+$0x2040 ss:$0x81] =	vst.msk $0xffff, v4  }
0x54: {  	v6 =	vld [tilespmem:s21+$0xFFFFFFE0];
	[tilespmem:s22+$0x2850 ss:$0x81] =	vst.msk $0xffff, v3  }
0x55: {  	s26 =	sshra.s32 s24, $0x2;
	s24 =	smov.u32 s25;
	v7 =	vld [tilespmem:s21+$0xFFFFFFF0];
	[tilespmem:s22+$0x3060 ss:$0x81] =	vst.msk $0xffff, v2  }
.Ltmp3:
0x56: {  	v4 =	vld [tilespmem:s21+$0x0];
	[tilespmem:s22+$0x0 ss:$0x81] =	vst.msk $0xffff, v1;
	s22 =	sadd.s32 s26, s23;
	(pc) =	sbr.rel @p1 .LBB1_3-.Ltmp3, $4  }
0x57: {  	v3 =	vld [tilespmem:s21+$0x10];
	[tilespmem:s22+$0x3870 ss:$0x81] =	vst.msk $0xffff, v0  }
0x58: {  	[tilespmem:s22+$0x810 ss:$0x81] =	vst.msk $0xffff, v5;
	v2 =	vld [tilespmem:s21+$0x20]  }
0x59: {  	v1 =	vld [tilespmem:s21+$0xFFFFFFC0];
	[tilespmem:s22+$0x1020 ss:$0x81] =	vst.msk $0xffff, v6;
	s21 =	sadd.s32 $0x80, s21  }
0x5a: {  	s25 =	sadd.s32 $0x4, s25;
	v0 =	vld [tilespmem:s21+$0x30];
	[tilespmem:s22+$0x1830 ss:$0x81] =	vst.msk $0xffff, v7  }
.Ltmp4:
0x5b: {  	_ = 	snop;
	(pc) =	sbr.rel .LBB1_4-.Ltmp4, $1  }
0x5c: {  	_ =	sdelay $0x3  }
.LBB1_6:
0x5d: {  	_ =	sfence.sel $0x180000  }
0x5e: {  	s2 =	simm.s32 $0x1;
	[bflag:$0x0] =	sbarrier.arrive $0xFFFF  }
0x5f: {  	s31 =	simm.s32 $0x2;
	[sflag:s2] =	ssyncpa.u1 $0x1  }
0x60: {  	[sflag:s31] =	ssyncpa.u1 $0x1  }
0x61: {  	p0 =	sne.s32 s0, $0x0;
	_ =	strace $0x9000004A  }
0x62: {  	s0 =	sadd.s32 @!p0 $0x100000, s1;
	[bflag:$0x2] =	sbarrier.arrive $0xFFFF  }
0x63: {  	[sflag:s0] =	ssyncadd.tile.s32 @!p0 $0x1;
	_ =	shalt  }
.Lfunc_end1:
_tile_overlayer_lowered:
.L_overlay_start_2:
0x64: {  	(tag) =	ssettag $0x2  }
0x65: {  	s0 =	rddreg [dreg:$0x0];
	s2 =	stileid.u32  }
0x66: {  	s1 =	rddreg [dreg:$0x1];
	p0 =	sne.s32 s2, $0x0  }
0x67: {  	s3 =	rddreg [dreg:$0x2];
	[bflag:$0x3] =	sbarrier.arrive $0xFFFF;
	s2 =	simm.s32 @!p0 $0x1C01  }
0x68: {  	[timem:s3], [sflag:s2] =	dma.local @!p0 [hbm:s0], s1  }
0x69: {  	s0 =	simm.s32 @!p0 $0x1  }
0x6a: {  	_ =	swait.ge @!p0 [sflag:s0], s1  }
0x6b: {  	s1 =	ssub.s32 @!p0 $0x0, s1;
	[sflag:s0] =	ssyncset.done @!p0 $0x0  }
0x6c: {  	[sflag:s0] =	ssyncadd.s32 @!p0 s1  }
0x6d: {  	[bflag:$0x3] =	sbarrier.arrive $0xFFFF  }
0x6e: {  	_ =	shalt  }

</sc_bundles>
